<compile_context>
chip_gen: v7x
topology: tpu7x:2x2x1
jax: 0.10.2.dev20260603
libtpu: 0.0.44.dev20260713+nightly
codegen_flags: <defaults>
</compile_context>

<pallas_src>
import functools

import jax
import jax.numpy as jnp
from jax import lax
from jax.experimental import pallas as pl
from jax.experimental.pallas import tpu as pltpu
from jax.experimental.pallas import tpu_sc as plsc

_NODE_DIM = 128
_EDGE_DIM = 16
_N_NODES = 10000
_N_EDGES = 320000

_NC = 2
_NS = 16
_NW = _NC * _NS
_BPW = _N_EDGES // _NW
_C = 2000
_NCHUNK = _BPW // _C

_EB = 16000
_PIECE = _EB // 8
_NEB = _N_EDGES // _EB


def _proj_body(nf_ref, w_ref, p1_ref, p2_ref):
    nf = nf_ref[...]
    w = w_ref[...]
    p1_ref[...] = jnp.dot(nf, w[:_NODE_DIM], preferred_element_type=jnp.float32)
    p2_ref[...] = jnp.dot(nf, w[_NODE_DIM:], preferred_element_type=jnp.float32)


def _node_proj(nf, w12):
    return pl.pallas_call(
        _proj_body,
        out_shape=[
            jax.ShapeDtypeStruct((_N_NODES, _EDGE_DIM), jnp.float32),
            jax.ShapeDtypeStruct((_N_NODES, _EDGE_DIM), jnp.float32),
        ],
    )(nf, w12)


def _store_packed(r1, s_hbm, base):
    for j in range(_C // _PIECE):
        e0 = base + j * _PIECE
        rrow = (e0 // _EB) * _PIECE
        kcol = ((e0 % _EB) // _PIECE) * _EDGE_DIM
        pltpu.sync_copy(
            r1.at[pl.ds(j * _PIECE, _PIECE), :],
            s_hbm.at[pl.ds(rrow, _PIECE), pl.ds(kcol, _EDGE_DIM)])


def _sc_gather_body(p1_hbm, p2_hbm, row_hbm, col_hbm, s_hbm,
                    t1, t2, idx1a, idx2a, r1a, idx1b, idx2b, r1b,
                    sem1a, sem2a, sem1b, sem2b):
    cid = lax.axis_index("c")
    sid = lax.axis_index("s")
    wid = sid * _NC + cid
    base0 = wid * _BPW

    @pl.when(sid == 0)
    def _():
        pltpu.sync_copy(p1_hbm, t1)
        pltpu.sync_copy(p2_hbm, t2)

    plsc.subcore_barrier()

    bufs = [(idx1a, idx2a, r1a, sem1a, sem2a),
            (idx1b, idx2b, r1b, sem1b, sem2b)]

    idx1, idx2, r1, sem1, _ = bufs[0]
    pltpu.sync_copy(row_hbm.at[pl.ds(base0, _C)], idx1)
    pltpu.sync_copy(col_hbm.at[pl.ds(base0, _C)], idx2)
    g1 = [None] * _NCHUNK
    g1[0] = pltpu.async_copy(t1.at[idx1], r1, sem1)
    for i in range(_NCHUNK):
        idx1, idx2, r1, sem1, sem2 = bufs[i % 2]
        base = base0 + i * _C
        if i + 1 < _NCHUNK:
            nidx1, nidx2, nr1, nsem1, _ = bufs[(i + 1) % 2]
            pltpu.sync_copy(row_hbm.at[pl.ds(base + _C, _C)], nidx1)
            pltpu.sync_copy(col_hbm.at[pl.ds(base + _C, _C)], nidx2)
        g1[i].wait()
        g2 = pltpu.async_copy(t2.at[idx2], r1, sem2, add=True)
        if i + 1 < _NCHUNK:
            g1[i + 1] = pltpu.async_copy(t1.at[nidx1], nr1, nsem1)
        g2.wait()
        _store_packed(r1, s_hbm, base)


_sc_gather = functools.partial(
    pl.kernel,
    mesh=plsc.VectorSubcoreMesh(core_axis_name="c", subcore_axis_name="s"),
    out_type=jax.ShapeDtypeStruct((_N_EDGES // 8, 8 * _EDGE_DIM),
                                  jnp.float32),
    compiler_params=pltpu.CompilerParams(use_tc_tiling_on_sc=False),
    scratch_types=[
        pltpu.VMEM_SHARED((_N_NODES, _EDGE_DIM), jnp.float32),
        pltpu.VMEM_SHARED((_N_NODES, _EDGE_DIM), jnp.float32),
        pltpu.VMEM((_C,), jnp.int32),
        pltpu.VMEM((_C,), jnp.int32),
        pltpu.VMEM((_C, _EDGE_DIM), jnp.float32),
        pltpu.VMEM((_C,), jnp.int32),
        pltpu.VMEM((_C,), jnp.int32),
        pltpu.VMEM((_C, _EDGE_DIM), jnp.float32),
        pltpu.SemaphoreType.DMA,
        pltpu.SemaphoreType.DMA,
        pltpu.SemaphoreType.DMA,
        pltpu.SemaphoreType.DMA,
    ],
)(_sc_gather_body)


def _edge_body(efT_ref, sp_ref, w3t_ref, b_ref, outT_ref):
    efT = efT_ref[...]
    sp = sp_ref[...]
    eye = jnp.eye(_EDGE_DIM, dtype=jnp.float32)
    sT = jnp.concatenate(
        [lax.dot_general(eye, sp[:, k * _EDGE_DIM:(k + 1) * _EDGE_DIM],
                         (((1,), (1,)), ((), ())),
                         preferred_element_type=jnp.float32)
         for k in range(8)],
        axis=1)
    x = (sT + b_ref[...]
         + jnp.dot(w3t_ref[...], efT, preferred_element_type=jnp.float32))
    outT_ref[...] = efT * jax.nn.sigmoid(x)


def _edge_update(efT, sp, w3t, bcol):
    tb_spec = pl.BlockSpec((_EDGE_DIM, _EB), lambda i: (0, i))
    return pl.pallas_call(
        _edge_body,
        grid=(_NEB,),
        in_specs=[
            tb_spec,
            pl.BlockSpec((_EB // 8, 8 * _EDGE_DIM), lambda i: (i, 0)),
            pl.BlockSpec((_EDGE_DIM, _EDGE_DIM), lambda i: (0, 0)),
            pl.BlockSpec((_EDGE_DIM, 1), lambda i: (0, 0)),
        ],
        out_specs=tb_spec,
        out_shape=jax.ShapeDtypeStruct((_EDGE_DIM, _N_EDGES), jnp.float32),
    )(efT, sp, w3t, bcol)


def kernel(node_features, edge_index, edge_features, W, b):
    ei = edge_index.astype(jnp.int32)
    row, col = ei[0], ei[1]
    p1, p2 = _node_proj(node_features, W[: 2 * _NODE_DIM])
    sp = _sc_gather(p1, p2, row, col)
    outT = _edge_update(edge_features.T, sp, W[2 * _NODE_DIM:].T,
                        b.reshape(_EDGE_DIM, 1))
    return outT.T

# --- scband reference (transcript-rebuilt; emitter-appended) ---
"""Pipeline reference for scband-alignnconv-7275674599849 (READ-ONLY COPY).

The authoritative reference and input builder live on the scoring server;
editing this copy changes nothing except your own understanding.
"""

import jax, jax.numpy as jnp
import numpy as np

NODE_DIM = 128
EDGE_DIM = 16
N_NODES = 10000
N_EDGES = 320000


def setup_inputs(seed: int = 0) -> dict:
    key = jax.random.key(seed)
    k1, k2, k3, k4, k5 = jax.random.split(key, 5)
    node_features = jax.random.normal(k1, (N_NODES, NODE_DIM), dtype=jnp.float32)
    edge_index = jax.random.randint(k2, (2, N_EDGES), 0, N_NODES, dtype=jnp.int64)
    edge_features = jax.random.normal(k3, (N_EDGES, EDGE_DIM), dtype=jnp.float32)
    # Linear(node_dim*2 + edge_dim -> edge_dim) parameters
    fan_in = NODE_DIM * 2 + EDGE_DIM
    bound = 1.0 / np.sqrt(fan_in)
    W = jax.random.uniform(k4, (fan_in, EDGE_DIM), minval=-bound, maxval=bound, dtype=jnp.float32)
    b = jax.random.uniform(k5, (EDGE_DIM,), minval=-bound, maxval=bound, dtype=jnp.float32)
    return {"node_features": node_features, "edge_index": edge_index, "edge_features": edge_features, "W": W, "b": b}


def reference(node_features, edge_index, edge_features, W, b):
    row = edge_index[0]
    col = edge_index[1]
    src = jnp.take(node_features, row, axis=0)
    dst = jnp.take(node_features, col, axis=0)
    edge_inputs = jnp.concatenate([src, dst, edge_features], axis=-1)
    edge_update = jax.nn.sigmoid(edge_inputs @ W + b)
    return edge_features * edge_update

if __name__ == "__main__":
    import jax
    _d = setup_inputs()
    print(jax.jit(kernel)(*tuple(_d.values())))

</pallas_src>

<mosaic_0001>
#map = affine_map<(d0, d1) -> (0, 0)>
#map1 = affine_map<(d0, d1) -> (0)>
module attributes {stable_mosaic.version = 14 : i64} {
  func.func @_sc_gather_body(%arg0: i32, %arg1: i32, %arg2: memref<10000x16xf32, #tpu.memory_space<hbm>>, %arg3: memref<10000x16xf32, #tpu.memory_space<hbm>>, %arg4: memref<320000xi32, #tpu.memory_space<hbm>>, %arg5: memref<320000xi32, #tpu.memory_space<hbm>>, %arg6: memref<40000x128xf32, #tpu.memory_space<hbm>>, %arg7: memref<10000x16xf32, #tpu.memory_space<vmem_shared>>, %arg8: memref<10000x16xf32, #tpu.memory_space<vmem_shared>>, %arg9: memref<2000xi32, #tpu.memory_space<vmem>>, %arg10: memref<2000xi32, #tpu.memory_space<vmem>>, %arg11: memref<2000x16xf32, #tpu.memory_space<vmem>>, %arg12: memref<2000xi32, #tpu.memory_space<vmem>>, %arg13: memref<2000xi32, #tpu.memory_space<vmem>>, %arg14: memref<2000x16xf32, #tpu.memory_space<vmem>>, %arg15: memref<!tpu.dma_semaphore, #tpu.memory_space<semaphore_mem>>, %arg16: memref<!tpu.dma_semaphore, #tpu.memory_space<semaphore_mem>>, %arg17: memref<!tpu.dma_semaphore, #tpu.memory_space<semaphore_mem>>, %arg18: memref<!tpu.dma_semaphore, #tpu.memory_space<semaphore_mem>>) attributes {dimension_semantics = [#tpu.dimension_semantics<core_parallel>, #tpu.dimension_semantics<subcore_parallel>], iteration_bounds = array<i64: 2, 16>, scalar_prefetch = 0 : i64, scratch_operands = 12 : i64, tpu.core_type = #tpu.core_type<sc_vector_subcore>, window_params = [{transform_indices = #map}, {transform_indices = #map}, {transform_indices = #map1}, {transform_indices = #map1}, {transform_indices = #map}]} {
    %mul3A = arith.constant 2 : i32
    %mul3A_0 = arith.muli %arg1, %mul3A : i32
    %add3A = arith.addi %mul3A_0, %arg0 : i32
    %mul3A_1 = arith.constant 10000 : i32
    %mul3A_2 = arith.muli %add3A, %mul3A_1 : i32
    %eq3A = arith.constant 0 : i32
    %eq3A_3 = arith.cmpi eq, %arg1, %eq3A : i32
    %convert_element_type3A = arith.extui %eq3A_3 : i1 to i32
    %cond3A = arith.constant 0 : i32
    %cond3A_4 = arith.cmpi ne, %convert_element_type3A, %cond3A : i32
    scf.if %cond3A_4 {
      "tpu.region"() ({
        %run_scoped3A = tpu.sem_alloc : memref<!tpu.dma_semaphore, #tpu.memory_space<semaphore_mem>>
        tpu.enqueue_dma source(%arg2 : memref<10000x16xf32, #tpu.memory_space<hbm>>) target(%arg7 : memref<10000x16xf32, #tpu.memory_space<vmem_shared>>) target_semaphore(%run_scoped3A : memref<!tpu.dma_semaphore, #tpu.memory_space<semaphore_mem>>)
        tpu.wait_dma2 semaphore(%run_scoped3A : memref<!tpu.dma_semaphore, #tpu.memory_space<semaphore_mem>>) src(%arg2 : memref<10000x16xf32, #tpu.memory_space<hbm>>) dst(%arg7 : memref<10000x16xf32, #tpu.memory_space<vmem_shared>>)
        tpu.yield
      }) : () -> ()
      "tpu.region"() ({
        %run_scoped3A = tpu.sem_alloc : memref<!tpu.dma_semaphore, #tpu.memory_space<semaphore_mem>>
        tpu.enqueue_dma source(%arg3 : memref<10000x16xf32, #tpu.memory_space<hbm>>) target(%arg8 : memref<10000x16xf32, #tpu.memory_space<vmem_shared>>) target_semaphore(%run_scoped3A : memref<!tpu.dma_semaphore, #tpu.memory_space<semaphore_mem>>)
        tpu.wait_dma2 semaphore(%run_scoped3A : memref<!tpu.dma_semaphore, #tpu.memory_space<semaphore_mem>>) src(%arg3 : memref<10000x16xf32, #tpu.memory_space<hbm>>) dst(%arg8 : memref<10000x16xf32, #tpu.memory_space<vmem_shared>>)
        tpu.yield
      }) : () -> ()
    } else {
    }
    %barrier3A = arith.constant 0 : index
    tpu.barrier barrier_id(%barrier3A)
    "tpu.region"() ({
      %run_scoped3A = tpu.sem_alloc : memref<!tpu.dma_semaphore, #tpu.memory_space<semaphore_mem>>
      %dma_start3A_430 = tpu.memref_slice %arg4[%mul3A_2] : memref<320000xi32, #tpu.memory_space<hbm>> -> memref<2000xi32, #tpu.memory_space<hbm>>
      %dma_start3A_431 = tpu.memref_slice %arg4[%mul3A_2] : memref<320000xi32, #tpu.memory_space<hbm>> -> memref<2000xi32, #tpu.memory_space<hbm>>
      tpu.enqueue_dma source(%dma_start3A_431 : memref<2000xi32, #tpu.memory_space<hbm>>) target(%arg9 : memref<2000xi32, #tpu.memory_space<vmem>>) target_semaphore(%run_scoped3A : memref<!tpu.dma_semaphore, #tpu.memory_space<semaphore_mem>>)
      %dma_wait3A_432 = tpu.memref_slice %arg4[%mul3A_2] : memref<320000xi32, #tpu.memory_space<hbm>> -> memref<2000xi32, #tpu.memory_space<hbm>>
      %dma_wait3A_433 = tpu.memref_slice %arg4[%mul3A_2] : memref<320000xi32, #tpu.memory_space<hbm>> -> memref<2000xi32, #tpu.memory_space<hbm>>
      tpu.wait_dma2 semaphore(%run_scoped3A : memref<!tpu.dma_semaphore, #tpu.memory_space<semaphore_mem>>) src(%dma_wait3A_433 : memref<2000xi32, #tpu.memory_space<hbm>>) dst(%arg9 : memref<2000xi32, #tpu.memory_space<vmem>>)
      tpu.yield
    }) : () -> ()
    "tpu.region"() ({
      %run_scoped3A = tpu.sem_alloc : memref<!tpu.dma_semaphore, #tpu.memory_space<semaphore_mem>>
      %dma_start3A_430 = tpu.memref_slice %arg5[%mul3A_2] : memref<320000xi32, #tpu.memory_space<hbm>> -> memref<2000xi32, #tpu.memory_space<hbm>>
      %dma_start3A_431 = tpu.memref_slice %arg5[%mul3A_2] : memref<320000xi32, #tpu.memory_space<hbm>> -> memref<2000xi32, #tpu.memory_space<hbm>>
      tpu.enqueue_dma source(%dma_start3A_431 : memref<2000xi32, #tpu.memory_space<hbm>>) target(%arg10 : memref<2000xi32, #tpu.memory_space<vmem>>) target_semaphore(%run_scoped3A : memref<!tpu.dma_semaphore, #tpu.memory_space<semaphore_mem>>)
      %dma_wait3A_432 = tpu.memref_slice %arg5[%mul3A_2] : memref<320000xi32, #tpu.memory_space<hbm>> -> memref<2000xi32, #tpu.memory_space<hbm>>
      %dma_wait3A_433 = tpu.memref_slice %arg5[%mul3A_2] : memref<320000xi32, #tpu.memory_space<hbm>> -> memref<2000xi32, #tpu.memory_space<hbm>>
      tpu.wait_dma2 semaphore(%run_scoped3A : memref<!tpu.dma_semaphore, #tpu.memory_space<semaphore_mem>>) src(%dma_wait3A_433 : memref<2000xi32, #tpu.memory_space<hbm>>) dst(%arg10 : memref<2000xi32, #tpu.memory_space<vmem>>)
      tpu.yield
    }) : () -> ()
    %dma_start3A = arith.constant 0 : i32
    %dma_start3A_5 = arith.constant 0 : i32
    %dma_start3A_6 = tpu.memref_slice %arg7[%dma_start3A, %dma_start3A_5] : memref<10000x16xf32, #tpu.memory_space<vmem_shared>> -> memref<10000x16xf32, #tpu.memory_space<vmem_shared>>
    tpu.enqueue_indirect_dma source(%dma_start3A_6 : memref<10000x16xf32, #tpu.memory_space<vmem_shared>>) target(%arg11 : memref<2000x16xf32, #tpu.memory_space<vmem>>) offsets(%arg9 : memref<2000xi32, #tpu.memory_space<vmem>>) semaphore(%arg15 : memref<!tpu.dma_semaphore, #tpu.memory_space<semaphore_mem>>)
    %add3A_7 = arith.constant 0 : i32
    %add3A_8 = arith.addi %mul3A_2, %add3A_7 : i32
    %add3A_9 = arith.constant 2000 : i32
    %add3A_10 = arith.addi %add3A_8, %add3A_9 : i32
    "tpu.region"() ({
      %run_scoped3A = tpu.sem_alloc : memref<!tpu.dma_semaphore, #tpu.memory_space<semaphore_mem>>
      %dma_start3A_430 = tpu.memref_slice %arg4[%add3A_10] : memref<320000xi32, #tpu.memory_space<hbm>> -> memref<2000xi32, #tpu.memory_space<hbm>>
      %dma_start3A_431 = tpu.memref_slice %arg4[%add3A_10] : memref<320000xi32, #tpu.memory_space<hbm>> -> memref<2000xi32, #tpu.memory_space<hbm>>
      tpu.enqueue_dma source(%dma_start3A_431 : memref<2000xi32, #tpu.memory_space<hbm>>) target(%arg12 : memref<2000xi32, #tpu.memory_space<vmem>>) target_semaphore(%run_scoped3A : memref<!tpu.dma_semaphore, #tpu.memory_space<semaphore_mem>>)
      %dma_wait3A_432 = tpu.memref_slice %arg4[%add3A_10] : memref<320000xi32, #tpu.memory_space<hbm>> -> memref<2000xi32, #tpu.memory_space<hbm>>
      %dma_wait3A_433 = tpu.memref_slice %arg4[%add3A_10] : memref<320000xi32, #tpu.memory_space<hbm>> -> memref<2000xi32, #tpu.memory_space<hbm>>
      tpu.wait_dma2 semaphore(%run_scoped3A : memref<!tpu.dma_semaphore, #tpu.memory_space<semaphore_mem>>) src(%dma_wait3A_433 : memref<2000xi32, #tpu.memory_space<hbm>>) dst(%arg12 : memref<2000xi32, #tpu.memory_space<vmem>>)
      tpu.yield
    }) : () -> ()
    %add3A_11 = arith.constant 2000 : i32
    %add3A_12 = arith.addi %add3A_8, %add3A_11 : i32
    "tpu.region"() ({
      %run_scoped3A = tpu.sem_alloc : memref<!tpu.dma_semaphore, #tpu.memory_space<semaphore_mem>>
      %dma_start3A_430 = tpu.memref_slice %arg5[%add3A_12] : memref<320000xi32, #tpu.memory_space<hbm>> -> memref<2000xi32, #tpu.memory_space<hbm>>
      %dma_start3A_431 = tpu.memref_slice %arg5[%add3A_12] : memref<320000xi32, #tpu.memory_space<hbm>> -> memref<2000xi32, #tpu.memory_space<hbm>>
      tpu.enqueue_dma source(%dma_start3A_431 : memref<2000xi32, #tpu.memory_space<hbm>>) target(%arg13 : memref<2000xi32, #tpu.memory_space<vmem>>) target_semaphore(%run_scoped3A : memref<!tpu.dma_semaphore, #tpu.memory_space<semaphore_mem>>)
      %dma_wait3A_432 = tpu.memref_slice %arg5[%add3A_12] : memref<320000xi32, #tpu.memory_space<hbm>> -> memref<2000xi32, #tpu.memory_space<hbm>>
      %dma_wait3A_433 = tpu.memref_slice %arg5[%add3A_12] : memref<320000xi32, #tpu.memory_space<hbm>> -> memref<2000xi32, #tpu.memory_space<hbm>>
      tpu.wait_dma2 semaphore(%run_scoped3A : memref<!tpu.dma_semaphore, #tpu.memory_space<semaphore_mem>>) src(%dma_wait3A_433 : memref<2000xi32, #tpu.memory_space<hbm>>) dst(%arg13 : memref<2000xi32, #tpu.memory_space<vmem>>)
      tpu.yield
    }) : () -> ()
    %dma_wait3A = arith.constant 0 : i32
    %dma_wait3A_13 = arith.constant 0 : i32
    %dma_wait3A_14 = tpu.memref_slice %arg7[%dma_wait3A, %dma_wait3A_13] : memref<10000x16xf32, #tpu.memory_space<vmem_shared>> -> memref<10000x16xf32, #tpu.memory_space<vmem_shared>>
    tpu.wait_indirect_dma semaphore(%arg15 : memref<!tpu.dma_semaphore, #tpu.memory_space<semaphore_mem>>) src(%dma_wait3A_14 : memref<10000x16xf32, #tpu.memory_space<vmem_shared>>) dst(%arg11 : memref<2000x16xf32, #tpu.memory_space<vmem>>)
    %dma_start3A_15 = arith.constant 0 : i32
    %dma_start3A_16 = arith.constant 0 : i32
    %dma_start3A_17 = tpu.memref_slice %arg8[%dma_start3A_15, %dma_start3A_16] : memref<10000x16xf32, #tpu.memory_space<vmem_shared>> -> memref<10000x16xf32, #tpu.memory_space<vmem_shared>>
    tpu.enqueue_indirect_dma source(%dma_start3A_17 : memref<10000x16xf32, #tpu.memory_space<vmem_shared>>) target(%arg11 : memref<2000x16xf32, #tpu.memory_space<vmem>>) offsets(%arg10 : memref<2000xi32, #tpu.memory_space<vmem>>) semaphore(%arg16 : memref<!tpu.dma_semaphore, #tpu.memory_space<semaphore_mem>>) {add = true}
    %dma_start3A_18 = arith.constant 0 : i32
    %dma_start3A_19 = arith.constant 0 : i32
    %dma_start3A_20 = tpu.memref_slice %arg7[%dma_start3A_18, %dma_start3A_19] : memref<10000x16xf32, #tpu.memory_space<vmem_shared>> -> memref<10000x16xf32, #tpu.memory_space<vmem_shared>>
    tpu.enqueue_indirect_dma source(%dma_start3A_20 : memref<10000x16xf32, #tpu.memory_space<vmem_shared>>) target(%arg14 : memref<2000x16xf32, #tpu.memory_space<vmem>>) offsets(%arg12 : memref<2000xi32, #tpu.memory_space<vmem>>) semaphore(%arg17 : memref<!tpu.dma_semaphore, #tpu.memory_space<semaphore_mem>>)
    %dma_wait3A_21 = arith.constant 0 : i32
    %dma_wait3A_22 = arith.constant 0 : i32
    %dma_wait3A_23 = tpu.memref_slice %arg8[%dma_wait3A_21, %dma_wait3A_22] : memref<10000x16xf32, #tpu.memory_space<vmem_shared>> -> memref<10000x16xf32, #tpu.memory_space<vmem_shared>>
    tpu.wait_indirect_dma semaphore(%arg16 : memref<!tpu.dma_semaphore, #tpu.memory_space<semaphore_mem>>) src(%dma_wait3A_23 : memref<10000x16xf32, #tpu.memory_space<vmem_shared>>) dst(%arg11 : memref<2000x16xf32, #tpu.memory_space<vmem>>)
    %add3A_24 = arith.constant 0 : i32
    %add3A_25 = arith.addi %add3A_8, %add3A_24 : i32
    %jit3A = arith.constant 16000 : i32
    %div3A = arith.divsi %add3A_25, %jit3A : i32
    %sign3A = arith.constant 0 : i32
    %sign3A_26 = arith.cmpi sgt, %add3A_25, %sign3A : i32
    %sign3A_27 = arith.extui %sign3A_26 : i1 to i32
    %sign3A_28 = arith.constant 0 : i32
    %sign3A_29 = arith.cmpi slt, %add3A_25, %sign3A_28 : i32
    %sign3A_30 = arith.extui %sign3A_29 : i1 to i32
    %sign3A_31 = arith.subi %sign3A_27, %sign3A_30 : i32
    %sign3A_32 = arith.constant 0 : i32
    %sign3A_33 = arith.cmpi sgt, %jit3A, %sign3A_32 : i32
    %sign3A_34 = arith.extui %sign3A_33 : i1 to i32
    %sign3A_35 = arith.constant 0 : i32
    %sign3A_36 = arith.cmpi slt, %jit3A, %sign3A_35 : i32
    %sign3A_37 = arith.extui %sign3A_36 : i1 to i32
    %sign3A_38 = arith.subi %sign3A_34, %sign3A_37 : i32
    %ne3A = arith.cmpi ne, %sign3A_31, %sign3A_38 : i32
    %rem3A = arith.remsi %add3A_25, %jit3A : i32
    %ne3A_39 = arith.constant 0 : i32
    %ne3A_40 = arith.cmpi ne, %rem3A, %ne3A_39 : i32
    %and3A = arith.andi %ne3A, %ne3A_40 : i1
    %sub3A = arith.constant 1 : i32
    %sub3A_41 = arith.subi %div3A, %sub3A : i32
    %select_n3A = arith.select %and3A, %sub3A_41, %div3A : i32
    %mul3A_42 = arith.constant 2000 : i32
    %mul3A_43 = arith.muli %select_n3A, %mul3A_42 : i32
    %jit3A_44 = arith.constant 16000 : i32
    %eq3A_45 = arith.constant 0 : i32
    %eq3A_46 = arith.cmpi eq, %jit3A_44, %eq3A_45 : i32
    %jit3A_47 = arith.constant 1 : i32
    %select_n3A_48 = arith.select %eq3A_46, %jit3A_47, %jit3A_44 : i32
    %rem3A_49 = arith.remsi %add3A_25, %select_n3A_48 : i32
    %ne3A_50 = arith.constant 0 : i32
    %ne3A_51 = arith.cmpi ne, %rem3A_49, %ne3A_50 : i32
    %lt3A = arith.constant 0 : i32
    %lt3A_52 = arith.cmpi slt, %rem3A_49, %lt3A : i32
    %lt3A_53 = arith.constant 0 : i32
    %lt3A_54 = arith.cmpi slt, %select_n3A_48, %lt3A_53 : i32
    %ne3A_55 = arith.xori %lt3A_52, %lt3A_54 : i1
    %and3A_56 = arith.andi %ne3A_55, %ne3A_51 : i1
    %add3A_57 = arith.addi %rem3A_49, %select_n3A_48 : i32
    %select_n3A_58 = arith.select %and3A_56, %add3A_57, %rem3A_49 : i32
    %jit3A_59 = arith.constant 2000 : i32
    %div3A_60 = arith.divsi %select_n3A_58, %jit3A_59 : i32
    %sign3A_61 = arith.constant 0 : i32
    %sign3A_62 = arith.cmpi sgt, %select_n3A_58, %sign3A_61 : i32
    %sign3A_63 = arith.extui %sign3A_62 : i1 to i32
    %sign3A_64 = arith.constant 0 : i32
    %sign3A_65 = arith.cmpi slt, %select_n3A_58, %sign3A_64 : i32
    %sign3A_66 = arith.extui %sign3A_65 : i1 to i32
    %sign3A_67 = arith.subi %sign3A_63, %sign3A_66 : i32
    %sign3A_68 = arith.constant 0 : i32
    %sign3A_69 = arith.cmpi sgt, %jit3A_59, %sign3A_68 : i32
    %sign3A_70 = arith.extui %sign3A_69 : i1 to i32
    %sign3A_71 = arith.constant 0 : i32
    %sign3A_72 = arith.cmpi slt, %jit3A_59, %sign3A_71 : i32
    %sign3A_73 = arith.extui %sign3A_72 : i1 to i32
    %sign3A_74 = arith.subi %sign3A_70, %sign3A_73 : i32
    %ne3A_75 = arith.cmpi ne, %sign3A_67, %sign3A_74 : i32
    %rem3A_76 = arith.remsi %select_n3A_58, %jit3A_59 : i32
    %ne3A_77 = arith.constant 0 : i32
    %ne3A_78 = arith.cmpi ne, %rem3A_76, %ne3A_77 : i32
    %and3A_79 = arith.andi %ne3A_75, %ne3A_78 : i1
    %sub3A_80 = arith.constant 1 : i32
    %sub3A_81 = arith.subi %div3A_60, %sub3A_80 : i32
    %select_n3A_82 = arith.select %and3A_79, %sub3A_81, %div3A_60 : i32
    %mul3A_83 = arith.constant 16 : i32
    %mul3A_84 = arith.muli %select_n3A_82, %mul3A_83 : i32
    "tpu.region"() ({
      %run_scoped3A = tpu.sem_alloc : memref<!tpu.dma_semaphore, #tpu.memory_space<semaphore_mem>>
      %dma_start3A_430 = arith.constant 0 : i32
      %dma_start3A_431 = arith.constant 0 : i32
      %dma_start3A_432 = tpu.memref_slice %arg11[%dma_start3A_430, %dma_start3A_431] : memref<2000x16xf32, #tpu.memory_space<vmem>> -> memref<2000x16xf32, #tpu.memory_space<vmem>>
      %dma_start3A_433 = tpu.memref_slice %arg6[%mul3A_43, %mul3A_84] : memref<40000x128xf32, #tpu.memory_space<hbm>> -> memref<2000x16xf32, #tpu.memory_space<hbm>>
      %dma_start3A_434 = tpu.memref_slice %arg6[%mul3A_43, %mul3A_84] : memref<40000x128xf32, #tpu.memory_space<hbm>> -> memref<2000x16xf32, #tpu.memory_space<hbm>>
      %dma_start3A_435 = arith.constant 0 : i32
      %dma_start3A_436 = arith.constant 0 : i32
      %dma_start3A_437 = tpu.memref_slice %arg11[%dma_start3A_435, %dma_start3A_436] : memref<2000x16xf32, #tpu.memory_space<vmem>> -> memref<2000x16xf32, #tpu.memory_space<vmem>>
      tpu.enqueue_dma source(%dma_start3A_437 : memref<2000x16xf32, #tpu.memory_space<vmem>>) target(%dma_start3A_434 : memref<2000x16xf32, #tpu.memory_space<hbm>>) target_semaphore(%run_scoped3A : memref<!tpu.dma_semaphore, #tpu.memory_space<semaphore_mem>>)
      %dma_wait3A_438 = arith.constant 0 : i32
      %dma_wait3A_439 = arith.constant 0 : i32
      %dma_wait3A_440 = tpu.memref_slice %arg11[%dma_wait3A_438, %dma_wait3A_439] : memref<2000x16xf32, #tpu.memory_space<vmem>> -> memref<2000x16xf32, #tpu.memory_space<vmem>>
      %dma_wait3A_441 = tpu.memref_slice %arg6[%mul3A_43, %mul3A_84] : memref<40000x128xf32, #tpu.memory_space<hbm>> -> memref<2000x16xf32, #tpu.memory_space<hbm>>
      %dma_wait3A_442 = tpu.memref_slice %arg6[%mul3A_43, %mul3A_84] : memref<40000x128xf32, #tpu.memory_space<hbm>> -> memref<2000x16xf32, #tpu.memory_space<hbm>>
      %dma_wait3A_443 = arith.constant 0 : i32
      %dma_wait3A_444 = arith.constant 0 : i32
      %dma_wait3A_445 = tpu.memref_slice %arg11[%dma_wait3A_443, %dma_wait3A_444] : memref<2000x16xf32, #tpu.memory_space<vmem>> -> memref<2000x16xf32, #tpu.memory_space<vmem>>
      tpu.wait_dma2 semaphore(%run_scoped3A : memref<!tpu.dma_semaphore, #tpu.memory_space<semaphore_mem>>) src(%dma_wait3A_445 : memref<2000x16xf32, #tpu.memory_space<vmem>>) dst(%dma_wait3A_442 : memref<2000x16xf32, #tpu.memory_space<hbm>>)
      tpu.yield
    }) : () -> ()
    %add3A_85 = arith.constant 2000 : i32
    %add3A_86 = arith.addi %mul3A_2, %add3A_85 : i32
    %add3A_87 = arith.constant 2000 : i32
    %add3A_88 = arith.addi %add3A_86, %add3A_87 : i32
    "tpu.region"() ({
      %run_scoped3A = tpu.sem_alloc : memref<!tpu.dma_semaphore, #tpu.memory_space<semaphore_mem>>
      %dma_start3A_430 = tpu.memref_slice %arg4[%add3A_88] : memref<320000xi32, #tpu.memory_space<hbm>> -> memref<2000xi32, #tpu.memory_space<hbm>>
      %dma_start3A_431 = tpu.memref_slice %arg4[%add3A_88] : memref<320000xi32, #tpu.memory_space<hbm>> -> memref<2000xi32, #tpu.memory_space<hbm>>
      tpu.enqueue_dma source(%dma_start3A_431 : memref<2000xi32, #tpu.memory_space<hbm>>) target(%arg9 : memref<2000xi32, #tpu.memory_space<vmem>>) target_semaphore(%run_scoped3A : memref<!tpu.dma_semaphore, #tpu.memory_space<semaphore_mem>>)
      %dma_wait3A_432 = tpu.memref_slice %arg4[%add3A_88] : memref<320000xi32, #tpu.memory_space<hbm>> -> memref<2000xi32, #tpu.memory_space<hbm>>
      %dma_wait3A_433 = tpu.memref_slice %arg4[%add3A_88] : memref<320000xi32, #tpu.memory_space<hbm>> -> memref<2000xi32, #tpu.memory_space<hbm>>
      tpu.wait_dma2 semaphore(%run_scoped3A : memref<!tpu.dma_semaphore, #tpu.memory_space<semaphore_mem>>) src(%dma_wait3A_433 : memref<2000xi32, #tpu.memory_space<hbm>>) dst(%arg9 : memref<2000xi32, #tpu.memory_space<vmem>>)
      tpu.yield
    }) : () -> ()
    %add3A_89 = arith.constant 2000 : i32
    %add3A_90 = arith.addi %add3A_86, %add3A_89 : i32
    "tpu.region"() ({
      %run_scoped3A = tpu.sem_alloc : memref<!tpu.dma_semaphore, #tpu.memory_space<semaphore_mem>>
      %dma_start3A_430 = tpu.memref_slice %arg5[%add3A_90] : memref<320000xi32, #tpu.memory_space<hbm>> -> memref<2000xi32, #tpu.memory_space<hbm>>
      %dma_start3A_431 = tpu.memref_slice %arg5[%add3A_90] : memref<320000xi32, #tpu.memory_space<hbm>> -> memref<2000xi32, #tpu.memory_space<hbm>>
      tpu.enqueue_dma source(%dma_start3A_431 : memref<2000xi32, #tpu.memory_space<hbm>>) target(%arg10 : memref<2000xi32, #tpu.memory_space<vmem>>) target_semaphore(%run_scoped3A : memref<!tpu.dma_semaphore, #tpu.memory_space<semaphore_mem>>)
      %dma_wait3A_432 = tpu.memref_slice %arg5[%add3A_90] : memref<320000xi32, #tpu.memory_space<hbm>> -> memref<2000xi32, #tpu.memory_space<hbm>>
      %dma_wait3A_433 = tpu.memref_slice %arg5[%add3A_90] : memref<320000xi32, #tpu.memory_space<hbm>> -> memref<2000xi32, #tpu.memory_space<hbm>>
      tpu.wait_dma2 semaphore(%run_scoped3A : memref<!tpu.dma_semaphore, #tpu.memory_space<semaphore_mem>>) src(%dma_wait3A_433 : memref<2000xi32, #tpu.memory_space<hbm>>) dst(%arg10 : memref<2000xi32, #tpu.memory_space<vmem>>)
      tpu.yield
    }) : () -> ()
    %dma_wait3A_91 = arith.constant 0 : i32
    %dma_wait3A_92 = arith.constant 0 : i32
    %dma_wait3A_93 = tpu.memref_slice %arg7[%dma_wait3A_91, %dma_wait3A_92] : memref<10000x16xf32, #tpu.memory_space<vmem_shared>> -> memref<10000x16xf32, #tpu.memory_space<vmem_shared>>
    tpu.wait_indirect_dma semaphore(%arg17 : memref<!tpu.dma_semaphore, #tpu.memory_space<semaphore_mem>>) src(%dma_wait3A_93 : memref<10000x16xf32, #tpu.memory_space<vmem_shared>>) dst(%arg14 : memref<2000x16xf32, #tpu.memory_space<vmem>>)
    %dma_start3A_94 = arith.constant 0 : i32
    %dma_start3A_95 = arith.constant 0 : i32
    %dma_start3A_96 = tpu.memref_slice %arg8[%dma_start3A_94, %dma_start3A_95] : memref<10000x16xf32, #tpu.memory_space<vmem_shared>> -> memref<10000x16xf32, #tpu.memory_space<vmem_shared>>
    tpu.enqueue_indirect_dma source(%dma_start3A_96 : memref<10000x16xf32, #tpu.memory_space<vmem_shared>>) target(%arg14 : memref<2000x16xf32, #tpu.memory_space<vmem>>) offsets(%arg13 : memref<2000xi32, #tpu.memory_space<vmem>>) semaphore(%arg18 : memref<!tpu.dma_semaphore, #tpu.memory_space<semaphore_mem>>) {add = true}
    %dma_start3A_97 = arith.constant 0 : i32
    %dma_start3A_98 = arith.constant 0 : i32
    %dma_start3A_99 = tpu.memref_slice %arg7[%dma_start3A_97, %dma_start3A_98] : memref<10000x16xf32, #tpu.memory_space<vmem_shared>> -> memref<10000x16xf32, #tpu.memory_space<vmem_shared>>
    tpu.enqueue_indirect_dma source(%dma_start3A_99 : memref<10000x16xf32, #tpu.memory_space<vmem_shared>>) target(%arg11 : memref<2000x16xf32, #tpu.memory_space<vmem>>) offsets(%arg9 : memref<2000xi32, #tpu.memory_space<vmem>>) semaphore(%arg15 : memref<!tpu.dma_semaphore, #tpu.memory_space<semaphore_mem>>)
    %dma_wait3A_100 = arith.constant 0 : i32
    %dma_wait3A_101 = arith.constant 0 : i32
    %dma_wait3A_102 = tpu.memref_slice %arg8[%dma_wait3A_100, %dma_wait3A_101] : memref<10000x16xf32, #tpu.memory_space<vmem_shared>> -> memref<10000x16xf32, #tpu.memory_space<vmem_shared>>
    tpu.wait_indirect_dma semaphore(%arg18 : memref<!tpu.dma_semaphore, #tpu.memory_space<semaphore_mem>>) src(%dma_wait3A_102 : memref<10000x16xf32, #tpu.memory_space<vmem_shared>>) dst(%arg14 : memref<2000x16xf32, #tpu.memory_space<vmem>>)
    %add3A_103 = arith.constant 0 : i32
    %add3A_104 = arith.addi %add3A_86, %add3A_103 : i32
    %jit3A_105 = arith.constant 16000 : i32
    %div3A_106 = arith.divsi %add3A_104, %jit3A_105 : i32
    %sign3A_107 = arith.constant 0 : i32
    %sign3A_108 = arith.cmpi sgt, %add3A_104, %sign3A_107 : i32
    %sign3A_109 = arith.extui %sign3A_108 : i1 to i32
    %sign3A_110 = arith.constant 0 : i32
    %sign3A_111 = arith.cmpi slt, %add3A_104, %sign3A_110 : i32
    %sign3A_112 = arith.extui %sign3A_111 : i1 to i32
    %sign3A_113 = arith.subi %sign3A_109, %sign3A_112 : i32
    %sign3A_114 = arith.constant 0 : i32
    %sign3A_115 = arith.cmpi sgt, %jit3A_105, %sign3A_114 : i32
    %sign3A_116 = arith.extui %sign3A_115 : i1 to i32
    %sign3A_117 = arith.constant 0 : i32
    %sign3A_118 = arith.cmpi slt, %jit3A_105, %sign3A_117 : i32
    %sign3A_119 = arith.extui %sign3A_118 : i1 to i32
    %sign3A_120 = arith.subi %sign3A_116, %sign3A_119 : i32
    %ne3A_121 = arith.cmpi ne, %sign3A_113, %sign3A_120 : i32
    %rem3A_122 = arith.remsi %add3A_104, %jit3A_105 : i32
    %ne3A_123 = arith.constant 0 : i32
    %ne3A_124 = arith.cmpi ne, %rem3A_122, %ne3A_123 : i32
    %and3A_125 = arith.andi %ne3A_121, %ne3A_124 : i1
    %sub3A_126 = arith.constant 1 : i32
    %sub3A_127 = arith.subi %div3A_106, %sub3A_126 : i32
    %select_n3A_128 = arith.select %and3A_125, %sub3A_127, %div3A_106 : i32
    %mul3A_129 = arith.constant 2000 : i32
    %mul3A_130 = arith.muli %select_n3A_128, %mul3A_129 : i32
    %jit3A_131 = arith.constant 16000 : i32
    %eq3A_132 = arith.constant 0 : i32
    %eq3A_133 = arith.cmpi eq, %jit3A_131, %eq3A_132 : i32
    %jit3A_134 = arith.constant 1 : i32
    %select_n3A_135 = arith.select %eq3A_133, %jit3A_134, %jit3A_131 : i32
    %rem3A_136 = arith.remsi %add3A_104, %select_n3A_135 : i32
    %ne3A_137 = arith.constant 0 : i32
    %ne3A_138 = arith.cmpi ne, %rem3A_136, %ne3A_137 : i32
    %lt3A_139 = arith.constant 0 : i32
    %lt3A_140 = arith.cmpi slt, %rem3A_136, %lt3A_139 : i32
    %lt3A_141 = arith.constant 0 : i32
    %lt3A_142 = arith.cmpi slt, %select_n3A_135, %lt3A_141 : i32
    %ne3A_143 = arith.xori %lt3A_140, %lt3A_142 : i1
    %and3A_144 = arith.andi %ne3A_143, %ne3A_138 : i1
    %add3A_145 = arith.addi %rem3A_136, %select_n3A_135 : i32
    %select_n3A_146 = arith.select %and3A_144, %add3A_145, %rem3A_136 : i32
    %jit3A_147 = arith.constant 2000 : i32
    %div3A_148 = arith.divsi %select_n3A_146, %jit3A_147 : i32
    %sign3A_149 = arith.constant 0 : i32
    %sign3A_150 = arith.cmpi sgt, %select_n3A_146, %sign3A_149 : i32
    %sign3A_151 = arith.extui %sign3A_150 : i1 to i32
    %sign3A_152 = arith.constant 0 : i32
    %sign3A_153 = arith.cmpi slt, %select_n3A_146, %sign3A_152 : i32
    %sign3A_154 = arith.extui %sign3A_153 : i1 to i32
    %sign3A_155 = arith.subi %sign3A_151, %sign3A_154 : i32
    %sign3A_156 = arith.constant 0 : i32
    %sign3A_157 = arith.cmpi sgt, %jit3A_147, %sign3A_156 : i32
    %sign3A_158 = arith.extui %sign3A_157 : i1 to i32
    %sign3A_159 = arith.constant 0 : i32
    %sign3A_160 = arith.cmpi slt, %jit3A_147, %sign3A_159 : i32
    %sign3A_161 = arith.extui %sign3A_160 : i1 to i32
    %sign3A_162 = arith.subi %sign3A_158, %sign3A_161 : i32
    %ne3A_163 = arith.cmpi ne, %sign3A_155, %sign3A_162 : i32
    %rem3A_164 = arith.remsi %select_n3A_146, %jit3A_147 : i32
    %ne3A_165 = arith.constant 0 : i32
    %ne3A_166 = arith.cmpi ne, %rem3A_164, %ne3A_165 : i32
    %and3A_167 = arith.andi %ne3A_163, %ne3A_166 : i1
    %sub3A_168 = arith.constant 1 : i32
    %sub3A_169 = arith.subi %div3A_148, %sub3A_168 : i32
    %select_n3A_170 = arith.select %and3A_167, %sub3A_169, %div3A_148 : i32
    %mul3A_171 = arith.constant 16 : i32
    %mul3A_172 = arith.muli %select_n3A_170, %mul3A_171 : i32
    "tpu.region"() ({
      %run_scoped3A = tpu.sem_alloc : memref<!tpu.dma_semaphore, #tpu.memory_space<semaphore_mem>>
      %dma_start3A_430 = arith.constant 0 : i32
      %dma_start3A_431 = arith.constant 0 : i32
      %dma_start3A_432 = tpu.memref_slice %arg14[%dma_start3A_430, %dma_start3A_431] : memref<2000x16xf32, #tpu.memory_space<vmem>> -> memref<2000x16xf32, #tpu.memory_space<vmem>>
      %dma_start3A_433 = tpu.memref_slice %arg6[%mul3A_130, %mul3A_172] : memref<40000x128xf32, #tpu.memory_space<hbm>> -> memref<2000x16xf32, #tpu.memory_space<hbm>>
      %dma_start3A_434 = tpu.memref_slice %arg6[%mul3A_130, %mul3A_172] : memref<40000x128xf32, #tpu.memory_space<hbm>> -> memref<2000x16xf32, #tpu.memory_space<hbm>>
      %dma_start3A_435 = arith.constant 0 : i32
      %dma_start3A_436 = arith.constant 0 : i32
      %dma_start3A_437 = tpu.memref_slice %arg14[%dma_start3A_435, %dma_start3A_436] : memref<2000x16xf32, #tpu.memory_space<vmem>> -> memref<2000x16xf32, #tpu.memory_space<vmem>>
      tpu.enqueue_dma source(%dma_start3A_437 : memref<2000x16xf32, #tpu.memory_space<vmem>>) target(%dma_start3A_434 : memref<2000x16xf32, #tpu.memory_space<hbm>>) target_semaphore(%run_scoped3A : memref<!tpu.dma_semaphore, #tpu.memory_space<semaphore_mem>>)
      %dma_wait3A_438 = arith.constant 0 : i32
      %dma_wait3A_439 = arith.constant 0 : i32
      %dma_wait3A_440 = tpu.memref_slice %arg14[%dma_wait3A_438, %dma_wait3A_439] : memref<2000x16xf32, #tpu.memory_space<vmem>> -> memref<2000x16xf32, #tpu.memory_space<vmem>>
      %dma_wait3A_441 = tpu.memref_slice %arg6[%mul3A_130, %mul3A_172] : memref<40000x128xf32, #tpu.memory_space<hbm>> -> memref<2000x16xf32, #tpu.memory_space<hbm>>
      %dma_wait3A_442 = tpu.memref_slice %arg6[%mul3A_130, %mul3A_172] : memref<40000x128xf32, #tpu.memory_space<hbm>> -> memref<2000x16xf32, #tpu.memory_space<hbm>>
      %dma_wait3A_443 = arith.constant 0 : i32
      %dma_wait3A_444 = arith.constant 0 : i32
      %dma_wait3A_445 = tpu.memref_slice %arg14[%dma_wait3A_443, %dma_wait3A_444] : memref<2000x16xf32, #tpu.memory_space<vmem>> -> memref<2000x16xf32, #tpu.memory_space<vmem>>
      tpu.wait_dma2 semaphore(%run_scoped3A : memref<!tpu.dma_semaphore, #tpu.memory_space<semaphore_mem>>) src(%dma_wait3A_445 : memref<2000x16xf32, #tpu.memory_space<vmem>>) dst(%dma_wait3A_442 : memref<2000x16xf32, #tpu.memory_space<hbm>>)
      tpu.yield
    }) : () -> ()
    %add3A_173 = arith.constant 4000 : i32
    %add3A_174 = arith.addi %mul3A_2, %add3A_173 : i32
    %add3A_175 = arith.constant 2000 : i32
    %add3A_176 = arith.addi %add3A_174, %add3A_175 : i32
    "tpu.region"() ({
      %run_scoped3A = tpu.sem_alloc : memref<!tpu.dma_semaphore, #tpu.memory_space<semaphore_mem>>
      %dma_start3A_430 = tpu.memref_slice %arg4[%add3A_176] : memref<320000xi32, #tpu.memory_space<hbm>> -> memref<2000xi32, #tpu.memory_space<hbm>>
      %dma_start3A_431 = tpu.memref_slice %arg4[%add3A_176] : memref<320000xi32, #tpu.memory_space<hbm>> -> memref<2000xi32, #tpu.memory_space<hbm>>
      tpu.enqueue_dma source(%dma_start3A_431 : memref<2000xi32, #tpu.memory_space<hbm>>) target(%arg12 : memref<2000xi32, #tpu.memory_space<vmem>>) target_semaphore(%run_scoped3A : memref<!tpu.dma_semaphore, #tpu.memory_space<semaphore_mem>>)
      %dma_wait3A_432 = tpu.memref_slice %arg4[%add3A_176] : memref<320000xi32, #tpu.memory_space<hbm>> -> memref<2000xi32, #tpu.memory_space<hbm>>
      %dma_wait3A_433 = tpu.memref_slice %arg4[%add3A_176] : memref<320000xi32, #tpu.memory_space<hbm>> -> memref<2000xi32, #tpu.memory_space<hbm>>
      tpu.wait_dma2 semaphore(%run_scoped3A : memref<!tpu.dma_semaphore, #tpu.memory_space<semaphore_mem>>) src(%dma_wait3A_433 : memref<2000xi32, #tpu.memory_space<hbm>>) dst(%arg12 : memref<2000xi32, #tpu.memory_space<vmem>>)
      tpu.yield
    }) : () -> ()
    %add3A_177 = arith.constant 2000 : i32
    %add3A_178 = arith.addi %add3A_174, %add3A_177 : i32
    "tpu.region"() ({
      %run_scoped3A = tpu.sem_alloc : memref<!tpu.dma_semaphore, #tpu.memory_space<semaphore_mem>>
      %dma_start3A_430 = tpu.memref_slice %arg5[%add3A_178] : memref<320000xi32, #tpu.memory_space<hbm>> -> memref<2000xi32, #tpu.memory_space<hbm>>
      %dma_start3A_431 = tpu.memref_slice %arg5[%add3A_178] : memref<320000xi32, #tpu.memory_space<hbm>> -> memref<2000xi32, #tpu.memory_space<hbm>>
      tpu.enqueue_dma source(%dma_start3A_431 : memref<2000xi32, #tpu.memory_space<hbm>>) target(%arg13 : memref<2000xi32, #tpu.memory_space<vmem>>) target_semaphore(%run_scoped3A : memref<!tpu.dma_semaphore, #tpu.memory_space<semaphore_mem>>)
      %dma_wait3A_432 = tpu.memref_slice %arg5[%add3A_178] : memref<320000xi32, #tpu.memory_space<hbm>> -> memref<2000xi32, #tpu.memory_space<hbm>>
      %dma_wait3A_433 = tpu.memref_slice %arg5[%add3A_178] : memref<320000xi32, #tpu.memory_space<hbm>> -> memref<2000xi32, #tpu.memory_space<hbm>>
      tpu.wait_dma2 semaphore(%run_scoped3A : memref<!tpu.dma_semaphore, #tpu.memory_space<semaphore_mem>>) src(%dma_wait3A_433 : memref<2000xi32, #tpu.memory_space<hbm>>) dst(%arg13 : memref<2000xi32, #tpu.memory_space<vmem>>)
      tpu.yield
    }) : () -> ()
    %dma_wait3A_179 = arith.constant 0 : i32
    %dma_wait3A_180 = arith.constant 0 : i32
    %dma_wait3A_181 = tpu.memref_slice %arg7[%dma_wait3A_179, %dma_wait3A_180] : memref<10000x16xf32, #tpu.memory_space<vmem_shared>> -> memref<10000x16xf32, #tpu.memory_space<vmem_shared>>
    tpu.wait_indirect_dma semaphore(%arg15 : memref<!tpu.dma_semaphore, #tpu.memory_space<semaphore_mem>>) src(%dma_wait3A_181 : memref<10000x16xf32, #tpu.memory_space<vmem_shared>>) dst(%arg11 : memref<2000x16xf32, #tpu.memory_space<vmem>>)
    %dma_start3A_182 = arith.constant 0 : i32
    %dma_start3A_183 = arith.constant 0 : i32
    %dma_start3A_184 = tpu.memref_slice %arg8[%dma_start3A_182, %dma_start3A_183] : memref<10000x16xf32, #tpu.memory_space<vmem_shared>> -> memref<10000x16xf32, #tpu.memory_space<vmem_shared>>
    tpu.enqueue_indirect_dma source(%dma_start3A_184 : memref<10000x16xf32, #tpu.memory_space<vmem_shared>>) target(%arg11 : memref<2000x16xf32, #tpu.memory_space<vmem>>) offsets(%arg10 : memref<2000xi32, #tpu.memory_space<vmem>>) semaphore(%arg16 : memref<!tpu.dma_semaphore, #tpu.memory_space<semaphore_mem>>) {add = true}
    %dma_start3A_185 = arith.constant 0 : i32
    %dma_start3A_186 = arith.constant 0 : i32
    %dma_start3A_187 = tpu.memref_slice %arg7[%dma_start3A_185, %dma_start3A_186] : memref<10000x16xf32, #tpu.memory_space<vmem_shared>> -> memref<10000x16xf32, #tpu.memory_space<vmem_shared>>
    tpu.enqueue_indirect_dma source(%dma_start3A_187 : memref<10000x16xf32, #tpu.memory_space<vmem_shared>>) target(%arg14 : memref<2000x16xf32, #tpu.memory_space<vmem>>) offsets(%arg12 : memref<2000xi32, #tpu.memory_space<vmem>>) semaphore(%arg17 : memref<!tpu.dma_semaphore, #tpu.memory_space<semaphore_mem>>)
    %dma_wait3A_188 = arith.constant 0 : i32
    %dma_wait3A_189 = arith.constant 0 : i32
    %dma_wait3A_190 = tpu.memref_slice %arg8[%dma_wait3A_188, %dma_wait3A_189] : memref<10000x16xf32, #tpu.memory_space<vmem_shared>> -> memref<10000x16xf32, #tpu.memory_space<vmem_shared>>
    tpu.wait_indirect_dma semaphore(%arg16 : memref<!tpu.dma_semaphore, #tpu.memory_space<semaphore_mem>>) src(%dma_wait3A_190 : memref<10000x16xf32, #tpu.memory_space<vmem_shared>>) dst(%arg11 : memref<2000x16xf32, #tpu.memory_space<vmem>>)
    %add3A_191 = arith.constant 0 : i32
    %add3A_192 = arith.addi %add3A_174, %add3A_191 : i32
    %jit3A_193 = arith.constant 16000 : i32
    %div3A_194 = arith.divsi %add3A_192, %jit3A_193 : i32
    %sign3A_195 = arith.constant 0 : i32
    %sign3A_196 = arith.cmpi sgt, %add3A_192, %sign3A_195 : i32
    %sign3A_197 = arith.extui %sign3A_196 : i1 to i32
    %sign3A_198 = arith.constant 0 : i32
    %sign3A_199 = arith.cmpi slt, %add3A_192, %sign3A_198 : i32
    %sign3A_200 = arith.extui %sign3A_199 : i1 to i32
    %sign3A_201 = arith.subi %sign3A_197, %sign3A_200 : i32
    %sign3A_202 = arith.constant 0 : i32
    %sign3A_203 = arith.cmpi sgt, %jit3A_193, %sign3A_202 : i32
    %sign3A_204 = arith.extui %sign3A_203 : i1 to i32
    %sign3A_205 = arith.constant 0 : i32
    %sign3A_206 = arith.cmpi slt, %jit3A_193, %sign3A_205 : i32
    %sign3A_207 = arith.extui %sign3A_206 : i1 to i32
    %sign3A_208 = arith.subi %sign3A_204, %sign3A_207 : i32
    %ne3A_209 = arith.cmpi ne, %sign3A_201, %sign3A_208 : i32
    %rem3A_210 = arith.remsi %add3A_192, %jit3A_193 : i32
    %ne3A_211 = arith.constant 0 : i32
    %ne3A_212 = arith.cmpi ne, %rem3A_210, %ne3A_211 : i32
    %and3A_213 = arith.andi %ne3A_209, %ne3A_212 : i1
    %sub3A_214 = arith.constant 1 : i32
    %sub3A_215 = arith.subi %div3A_194, %sub3A_214 : i32
    %select_n3A_216 = arith.select %and3A_213, %sub3A_215, %div3A_194 : i32
    %mul3A_217 = arith.constant 2000 : i32
    %mul3A_218 = arith.muli %select_n3A_216, %mul3A_217 : i32
    %jit3A_219 = arith.constant 16000 : i32
    %eq3A_220 = arith.constant 0 : i32
    %eq3A_221 = arith.cmpi eq, %jit3A_219, %eq3A_220 : i32
    %jit3A_222 = arith.constant 1 : i32
    %select_n3A_223 = arith.select %eq3A_221, %jit3A_222, %jit3A_219 : i32
    %rem3A_224 = arith.remsi %add3A_192, %select_n3A_223 : i32
    %ne3A_225 = arith.constant 0 : i32
    %ne3A_226 = arith.cmpi ne, %rem3A_224, %ne3A_225 : i32
    %lt3A_227 = arith.constant 0 : i32
    %lt3A_228 = arith.cmpi slt, %rem3A_224, %lt3A_227 : i32
    %lt3A_229 = arith.constant 0 : i32
    %lt3A_230 = arith.cmpi slt, %select_n3A_223, %lt3A_229 : i32
    %ne3A_231 = arith.xori %lt3A_228, %lt3A_230 : i1
    %and3A_232 = arith.andi %ne3A_231, %ne3A_226 : i1
    %add3A_233 = arith.addi %rem3A_224, %select_n3A_223 : i32
    %select_n3A_234 = arith.select %and3A_232, %add3A_233, %rem3A_224 : i32
    %jit3A_235 = arith.constant 2000 : i32
    %div3A_236 = arith.divsi %select_n3A_234, %jit3A_235 : i32
    %sign3A_237 = arith.constant 0 : i32
    %sign3A_238 = arith.cmpi sgt, %select_n3A_234, %sign3A_237 : i32
    %sign3A_239 = arith.extui %sign3A_238 : i1 to i32
    %sign3A_240 = arith.constant 0 : i32
    %sign3A_241 = arith.cmpi slt, %select_n3A_234, %sign3A_240 : i32
    %sign3A_242 = arith.extui %sign3A_241 : i1 to i32
    %sign3A_243 = arith.subi %sign3A_239, %sign3A_242 : i32
    %sign3A_244 = arith.constant 0 : i32
    %sign3A_245 = arith.cmpi sgt, %jit3A_235, %sign3A_244 : i32
    %sign3A_246 = arith.extui %sign3A_245 : i1 to i32
    %sign3A_247 = arith.constant 0 : i32
    %sign3A_248 = arith.cmpi slt, %jit3A_235, %sign3A_247 : i32
    %sign3A_249 = arith.extui %sign3A_248 : i1 to i32
    %sign3A_250 = arith.subi %sign3A_246, %sign3A_249 : i32
    %ne3A_251 = arith.cmpi ne, %sign3A_243, %sign3A_250 : i32
    %rem3A_252 = arith.remsi %select_n3A_234, %jit3A_235 : i32
    %ne3A_253 = arith.constant 0 : i32
    %ne3A_254 = arith.cmpi ne, %rem3A_252, %ne3A_253 : i32
    %and3A_255 = arith.andi %ne3A_251, %ne3A_254 : i1
    %sub3A_256 = arith.constant 1 : i32
    %sub3A_257 = arith.subi %div3A_236, %sub3A_256 : i32
    %select_n3A_258 = arith.select %and3A_255, %sub3A_257, %div3A_236 : i32
    %mul3A_259 = arith.constant 16 : i32
    %mul3A_260 = arith.muli %select_n3A_258, %mul3A_259 : i32
    "tpu.region"() ({
      %run_scoped3A = tpu.sem_alloc : memref<!tpu.dma_semaphore, #tpu.memory_space<semaphore_mem>>
      %dma_start3A_430 = arith.constant 0 : i32
      %dma_start3A_431 = arith.constant 0 : i32
      %dma_start3A_432 = tpu.memref_slice %arg11[%dma_start3A_430, %dma_start3A_431] : memref<2000x16xf32, #tpu.memory_space<vmem>> -> memref<2000x16xf32, #tpu.memory_space<vmem>>
      %dma_start3A_433 = tpu.memref_slice %arg6[%mul3A_218, %mul3A_260] : memref<40000x128xf32, #tpu.memory_space<hbm>> -> memref<2000x16xf32, #tpu.memory_space<hbm>>
      %dma_start3A_434 = tpu.memref_slice %arg6[%mul3A_218, %mul3A_260] : memref<40000x128xf32, #tpu.memory_space<hbm>> -> memref<2000x16xf32, #tpu.memory_space<hbm>>
      %dma_start3A_435 = arith.constant 0 : i32
      %dma_start3A_436 = arith.constant 0 : i32
      %dma_start3A_437 = tpu.memref_slice %arg11[%dma_start3A_435, %dma_start3A_436] : memref<2000x16xf32, #tpu.memory_space<vmem>> -> memref<2000x16xf32, #tpu.memory_space<vmem>>
      tpu.enqueue_dma source(%dma_start3A_437 : memref<2000x16xf32, #tpu.memory_space<vmem>>) target(%dma_start3A_434 : memref<2000x16xf32, #tpu.memory_space<hbm>>) target_semaphore(%run_scoped3A : memref<!tpu.dma_semaphore, #tpu.memory_space<semaphore_mem>>)
      %dma_wait3A_438 = arith.constant 0 : i32
      %dma_wait3A_439 = arith.constant 0 : i32
      %dma_wait3A_440 = tpu.memref_slice %arg11[%dma_wait3A_438, %dma_wait3A_439] : memref<2000x16xf32, #tpu.memory_space<vmem>> -> memref<2000x16xf32, #tpu.memory_space<vmem>>
      %dma_wait3A_441 = tpu.memref_slice %arg6[%mul3A_218, %mul3A_260] : memref<40000x128xf32, #tpu.memory_space<hbm>> -> memref<2000x16xf32, #tpu.memory_space<hbm>>
      %dma_wait3A_442 = tpu.memref_slice %arg6[%mul3A_218, %mul3A_260] : memref<40000x128xf32, #tpu.memory_space<hbm>> -> memref<2000x16xf32, #tpu.memory_space<hbm>>
      %dma_wait3A_443 = arith.constant 0 : i32
      %dma_wait3A_444 = arith.constant 0 : i32
      %dma_wait3A_445 = tpu.memref_slice %arg11[%dma_wait3A_443, %dma_wait3A_444] : memref<2000x16xf32, #tpu.memory_space<vmem>> -> memref<2000x16xf32, #tpu.memory_space<vmem>>
      tpu.wait_dma2 semaphore(%run_scoped3A : memref<!tpu.dma_semaphore, #tpu.memory_space<semaphore_mem>>) src(%dma_wait3A_445 : memref<2000x16xf32, #tpu.memory_space<vmem>>) dst(%dma_wait3A_442 : memref<2000x16xf32, #tpu.memory_space<hbm>>)
      tpu.yield
    }) : () -> ()
    %add3A_261 = arith.constant 6000 : i32
    %add3A_262 = arith.addi %mul3A_2, %add3A_261 : i32
    %add3A_263 = arith.constant 2000 : i32
    %add3A_264 = arith.addi %add3A_262, %add3A_263 : i32
    "tpu.region"() ({
      %run_scoped3A = tpu.sem_alloc : memref<!tpu.dma_semaphore, #tpu.memory_space<semaphore_mem>>
      %dma_start3A_430 = tpu.memref_slice %arg4[%add3A_264] : memref<320000xi32, #tpu.memory_space<hbm>> -> memref<2000xi32, #tpu.memory_space<hbm>>
      %dma_start3A_431 = tpu.memref_slice %arg4[%add3A_264] : memref<320000xi32, #tpu.memory_space<hbm>> -> memref<2000xi32, #tpu.memory_space<hbm>>
      tpu.enqueue_dma source(%dma_start3A_431 : memref<2000xi32, #tpu.memory_space<hbm>>) target(%arg9 : memref<2000xi32, #tpu.memory_space<vmem>>) target_semaphore(%run_scoped3A : memref<!tpu.dma_semaphore, #tpu.memory_space<semaphore_mem>>)
      %dma_wait3A_432 = tpu.memref_slice %arg4[%add3A_264] : memref<320000xi32, #tpu.memory_space<hbm>> -> memref<2000xi32, #tpu.memory_space<hbm>>
      %dma_wait3A_433 = tpu.memref_slice %arg4[%add3A_264] : memref<320000xi32, #tpu.memory_space<hbm>> -> memref<2000xi32, #tpu.memory_space<hbm>>
      tpu.wait_dma2 semaphore(%run_scoped3A : memref<!tpu.dma_semaphore, #tpu.memory_space<semaphore_mem>>) src(%dma_wait3A_433 : memref<2000xi32, #tpu.memory_space<hbm>>) dst(%arg9 : memref<2000xi32, #tpu.memory_space<vmem>>)
      tpu.yield
    }) : () -> ()
    %add3A_265 = arith.constant 2000 : i32
    %add3A_266 = arith.addi %add3A_262, %add3A_265 : i32
    "tpu.region"() ({
      %run_scoped3A = tpu.sem_alloc : memref<!tpu.dma_semaphore, #tpu.memory_space<semaphore_mem>>
      %dma_start3A_430 = tpu.memref_slice %arg5[%add3A_266] : memref<320000xi32, #tpu.memory_space<hbm>> -> memref<2000xi32, #tpu.memory_space<hbm>>
      %dma_start3A_431 = tpu.memref_slice %arg5[%add3A_266] : memref<320000xi32, #tpu.memory_space<hbm>> -> memref<2000xi32, #tpu.memory_space<hbm>>
      tpu.enqueue_dma source(%dma_start3A_431 : memref<2000xi32, #tpu.memory_space<hbm>>) target(%arg10 : memref<2000xi32, #tpu.memory_space<vmem>>) target_semaphore(%run_scoped3A : memref<!tpu.dma_semaphore, #tpu.memory_space<semaphore_mem>>)
      %dma_wait3A_432 = tpu.memref_slice %arg5[%add3A_266] : memref<320000xi32, #tpu.memory_space<hbm>> -> memref<2000xi32, #tpu.memory_space<hbm>>
      %dma_wait3A_433 = tpu.memref_slice %arg5[%add3A_266] : memref<320000xi32, #tpu.memory_space<hbm>> -> memref<2000xi32, #tpu.memory_space<hbm>>
      tpu.wait_dma2 semaphore(%run_scoped3A : memref<!tpu.dma_semaphore, #tpu.memory_space<semaphore_mem>>) src(%dma_wait3A_433 : memref<2000xi32, #tpu.memory_space<hbm>>) dst(%arg10 : memref<2000xi32, #tpu.memory_space<vmem>>)
      tpu.yield
    }) : () -> ()
    %dma_wait3A_267 = arith.constant 0 : i32
    %dma_wait3A_268 = arith.constant 0 : i32
    %dma_wait3A_269 = tpu.memref_slice %arg7[%dma_wait3A_267, %dma_wait3A_268] : memref<10000x16xf32, #tpu.memory_space<vmem_shared>> -> memref<10000x16xf32, #tpu.memory_space<vmem_shared>>
    tpu.wait_indirect_dma semaphore(%arg17 : memref<!tpu.dma_semaphore, #tpu.memory_space<semaphore_mem>>) src(%dma_wait3A_269 : memref<10000x16xf32, #tpu.memory_space<vmem_shared>>) dst(%arg14 : memref<2000x16xf32, #tpu.memory_space<vmem>>)
    %dma_start3A_270 = arith.constant 0 : i32
    %dma_start3A_271 = arith.constant 0 : i32
    %dma_start3A_272 = tpu.memref_slice %arg8[%dma_start3A_270, %dma_start3A_271] : memref<10000x16xf32, #tpu.memory_space<vmem_shared>> -> memref<10000x16xf32, #tpu.memory_space<vmem_shared>>
    tpu.enqueue_indirect_dma source(%dma_start3A_272 : memref<10000x16xf32, #tpu.memory_space<vmem_shared>>) target(%arg14 : memref<2000x16xf32, #tpu.memory_space<vmem>>) offsets(%arg13 : memref<2000xi32, #tpu.memory_space<vmem>>) semaphore(%arg18 : memref<!tpu.dma_semaphore, #tpu.memory_space<semaphore_mem>>) {add = true}
    %dma_start3A_273 = arith.constant 0 : i32
    %dma_start3A_274 = arith.constant 0 : i32
    %dma_start3A_275 = tpu.memref_slice %arg7[%dma_start3A_273, %dma_start3A_274] : memref<10000x16xf32, #tpu.memory_space<vmem_shared>> -> memref<10000x16xf32, #tpu.memory_space<vmem_shared>>
    tpu.enqueue_indirect_dma source(%dma_start3A_275 : memref<10000x16xf32, #tpu.memory_space<vmem_shared>>) target(%arg11 : memref<2000x16xf32, #tpu.memory_space<vmem>>) offsets(%arg9 : memref<2000xi32, #tpu.memory_space<vmem>>) semaphore(%arg15 : memref<!tpu.dma_semaphore, #tpu.memory_space<semaphore_mem>>)
    %dma_wait3A_276 = arith.constant 0 : i32
    %dma_wait3A_277 = arith.constant 0 : i32
    %dma_wait3A_278 = tpu.memref_slice %arg8[%dma_wait3A_276, %dma_wait3A_277] : memref<10000x16xf32, #tpu.memory_space<vmem_shared>> -> memref<10000x16xf32, #tpu.memory_space<vmem_shared>>
    tpu.wait_indirect_dma semaphore(%arg18 : memref<!tpu.dma_semaphore, #tpu.memory_space<semaphore_mem>>) src(%dma_wait3A_278 : memref<10000x16xf32, #tpu.memory_space<vmem_shared>>) dst(%arg14 : memref<2000x16xf32, #tpu.memory_space<vmem>>)
    %add3A_279 = arith.constant 0 : i32
    %add3A_280 = arith.addi %add3A_262, %add3A_279 : i32
    %jit3A_281 = arith.constant 16000 : i32
    %div3A_282 = arith.divsi %add3A_280, %jit3A_281 : i32
    %sign3A_283 = arith.constant 0 : i32
    %sign3A_284 = arith.cmpi sgt, %add3A_280, %sign3A_283 : i32
    %sign3A_285 = arith.extui %sign3A_284 : i1 to i32
    %sign3A_286 = arith.constant 0 : i32
    %sign3A_287 = arith.cmpi slt, %add3A_280, %sign3A_286 : i32
    %sign3A_288 = arith.extui %sign3A_287 : i1 to i32
    %sign3A_289 = arith.subi %sign3A_285, %sign3A_288 : i32
    %sign3A_290 = arith.constant 0 : i32
    %sign3A_291 = arith.cmpi sgt, %jit3A_281, %sign3A_290 : i32
    %sign3A_292 = arith.extui %sign3A_291 : i1 to i32
    %sign3A_293 = arith.constant 0 : i32
    %sign3A_294 = arith.cmpi slt, %jit3A_281, %sign3A_293 : i32
    %sign3A_295 = arith.extui %sign3A_294 : i1 to i32
    %sign3A_296 = arith.subi %sign3A_292, %sign3A_295 : i32
    %ne3A_297 = arith.cmpi ne, %sign3A_289, %sign3A_296 : i32
    %rem3A_298 = arith.remsi %add3A_280, %jit3A_281 : i32
    %ne3A_299 = arith.constant 0 : i32
    %ne3A_300 = arith.cmpi ne, %rem3A_298, %ne3A_299 : i32
    %and3A_301 = arith.andi %ne3A_297, %ne3A_300 : i1
    %sub3A_302 = arith.constant 1 : i32
    %sub3A_303 = arith.subi %div3A_282, %sub3A_302 : i32
    %select_n3A_304 = arith.select %and3A_301, %sub3A_303, %div3A_282 : i32
    %mul3A_305 = arith.constant 2000 : i32
    %mul3A_306 = arith.muli %select_n3A_304, %mul3A_305 : i32
    %jit3A_307 = arith.constant 16000 : i32
    %eq3A_308 = arith.constant 0 : i32
    %eq3A_309 = arith.cmpi eq, %jit3A_307, %eq3A_308 : i32
    %jit3A_310 = arith.constant 1 : i32
    %select_n3A_311 = arith.select %eq3A_309, %jit3A_310, %jit3A_307 : i32
    %rem3A_312 = arith.remsi %add3A_280, %select_n3A_311 : i32
    %ne3A_313 = arith.constant 0 : i32
    %ne3A_314 = arith.cmpi ne, %rem3A_312, %ne3A_313 : i32
    %lt3A_315 = arith.constant 0 : i32
    %lt3A_316 = arith.cmpi slt, %rem3A_312, %lt3A_315 : i32
    %lt3A_317 = arith.constant 0 : i32
    %lt3A_318 = arith.cmpi slt, %select_n3A_311, %lt3A_317 : i32
    %ne3A_319 = arith.xori %lt3A_316, %lt3A_318 : i1
    %and3A_320 = arith.andi %ne3A_319, %ne3A_314 : i1
    %add3A_321 = arith.addi %rem3A_312, %select_n3A_311 : i32
    %select_n3A_322 = arith.select %and3A_320, %add3A_321, %rem3A_312 : i32
    %jit3A_323 = arith.constant 2000 : i32
    %div3A_324 = arith.divsi %select_n3A_322, %jit3A_323 : i32
    %sign3A_325 = arith.constant 0 : i32
    %sign3A_326 = arith.cmpi sgt, %select_n3A_322, %sign3A_325 : i32
    %sign3A_327 = arith.extui %sign3A_326 : i1 to i32
    %sign3A_328 = arith.constant 0 : i32
    %sign3A_329 = arith.cmpi slt, %select_n3A_322, %sign3A_328 : i32
    %sign3A_330 = arith.extui %sign3A_329 : i1 to i32
    %sign3A_331 = arith.subi %sign3A_327, %sign3A_330 : i32
    %sign3A_332 = arith.constant 0 : i32
    %sign3A_333 = arith.cmpi sgt, %jit3A_323, %sign3A_332 : i32
    %sign3A_334 = arith.extui %sign3A_333 : i1 to i32
    %sign3A_335 = arith.constant 0 : i32
    %sign3A_336 = arith.cmpi slt, %jit3A_323, %sign3A_335 : i32
    %sign3A_337 = arith.extui %sign3A_336 : i1 to i32
    %sign3A_338 = arith.subi %sign3A_334, %sign3A_337 : i32
    %ne3A_339 = arith.cmpi ne, %sign3A_331, %sign3A_338 : i32
    %rem3A_340 = arith.remsi %select_n3A_322, %jit3A_323 : i32
    %ne3A_341 = arith.constant 0 : i32
    %ne3A_342 = arith.cmpi ne, %rem3A_340, %ne3A_341 : i32
    %and3A_343 = arith.andi %ne3A_339, %ne3A_342 : i1
    %sub3A_344 = arith.constant 1 : i32
    %sub3A_345 = arith.subi %div3A_324, %sub3A_344 : i32
    %select_n3A_346 = arith.select %and3A_343, %sub3A_345, %div3A_324 : i32
    %mul3A_347 = arith.constant 16 : i32
    %mul3A_348 = arith.muli %select_n3A_346, %mul3A_347 : i32
    "tpu.region"() ({
      %run_scoped3A = tpu.sem_alloc : memref<!tpu.dma_semaphore, #tpu.memory_space<semaphore_mem>>
      %dma_start3A_430 = arith.constant 0 : i32
      %dma_start3A_431 = arith.constant 0 : i32
      %dma_start3A_432 = tpu.memref_slice %arg14[%dma_start3A_430, %dma_start3A_431] : memref<2000x16xf32, #tpu.memory_space<vmem>> -> memref<2000x16xf32, #tpu.memory_space<vmem>>
      %dma_start3A_433 = tpu.memref_slice %arg6[%mul3A_306, %mul3A_348] : memref<40000x128xf32, #tpu.memory_space<hbm>> -> memref<2000x16xf32, #tpu.memory_space<hbm>>
      %dma_start3A_434 = tpu.memref_slice %arg6[%mul3A_306, %mul3A_348] : memref<40000x128xf32, #tpu.memory_space<hbm>> -> memref<2000x16xf32, #tpu.memory_space<hbm>>
      %dma_start3A_435 = arith.constant 0 : i32
      %dma_start3A_436 = arith.constant 0 : i32
      %dma_start3A_437 = tpu.memref_slice %arg14[%dma_start3A_435, %dma_start3A_436] : memref<2000x16xf32, #tpu.memory_space<vmem>> -> memref<2000x16xf32, #tpu.memory_space<vmem>>
      tpu.enqueue_dma source(%dma_start3A_437 : memref<2000x16xf32, #tpu.memory_space<vmem>>) target(%dma_start3A_434 : memref<2000x16xf32, #tpu.memory_space<hbm>>) target_semaphore(%run_scoped3A : memref<!tpu.dma_semaphore, #tpu.memory_space<semaphore_mem>>)
      %dma_wait3A_438 = arith.constant 0 : i32
      %dma_wait3A_439 = arith.constant 0 : i32
      %dma_wait3A_440 = tpu.memref_slice %arg14[%dma_wait3A_438, %dma_wait3A_439] : memref<2000x16xf32, #tpu.memory_space<vmem>> -> memref<2000x16xf32, #tpu.memory_space<vmem>>
      %dma_wait3A_441 = tpu.memref_slice %arg6[%mul3A_306, %mul3A_348] : memref<40000x128xf32, #tpu.memory_space<hbm>> -> memref<2000x16xf32, #tpu.memory_space<hbm>>
      %dma_wait3A_442 = tpu.memref_slice %arg6[%mul3A_306, %mul3A_348] : memref<40000x128xf32, #tpu.memory_space<hbm>> -> memref<2000x16xf32, #tpu.memory_space<hbm>>
      %dma_wait3A_443 = arith.constant 0 : i32
      %dma_wait3A_444 = arith.constant 0 : i32
      %dma_wait3A_445 = tpu.memref_slice %arg14[%dma_wait3A_443, %dma_wait3A_444] : memref<2000x16xf32, #tpu.memory_space<vmem>> -> memref<2000x16xf32, #tpu.memory_space<vmem>>
      tpu.wait_dma2 semaphore(%run_scoped3A : memref<!tpu.dma_semaphore, #tpu.memory_space<semaphore_mem>>) src(%dma_wait3A_445 : memref<2000x16xf32, #tpu.memory_space<vmem>>) dst(%dma_wait3A_442 : memref<2000x16xf32, #tpu.memory_space<hbm>>)
      tpu.yield
    }) : () -> ()
    %add3A_349 = arith.constant 8000 : i32
    %add3A_350 = arith.addi %mul3A_2, %add3A_349 : i32
    %dma_wait3A_351 = arith.constant 0 : i32
    %dma_wait3A_352 = arith.constant 0 : i32
    %dma_wait3A_353 = tpu.memref_slice %arg7[%dma_wait3A_351, %dma_wait3A_352] : memref<10000x16xf32, #tpu.memory_space<vmem_shared>> -> memref<10000x16xf32, #tpu.memory_space<vmem_shared>>
    tpu.wait_indirect_dma semaphore(%arg15 : memref<!tpu.dma_semaphore, #tpu.memory_space<semaphore_mem>>) src(%dma_wait3A_353 : memref<10000x16xf32, #tpu.memory_space<vmem_shared>>) dst(%arg11 : memref<2000x16xf32, #tpu.memory_space<vmem>>)
    %dma_start3A_354 = arith.constant 0 : i32
    %dma_start3A_355 = arith.constant 0 : i32
    %dma_start3A_356 = tpu.memref_slice %arg8[%dma_start3A_354, %dma_start3A_355] : memref<10000x16xf32, #tpu.memory_space<vmem_shared>> -> memref<10000x16xf32, #tpu.memory_space<vmem_shared>>
    tpu.enqueue_indirect_dma source(%dma_start3A_356 : memref<10000x16xf32, #tpu.memory_space<vmem_shared>>) target(%arg11 : memref<2000x16xf32, #tpu.memory_space<vmem>>) offsets(%arg10 : memref<2000xi32, #tpu.memory_space<vmem>>) semaphore(%arg16 : memref<!tpu.dma_semaphore, #tpu.memory_space<semaphore_mem>>) {add = true}
    %dma_wait3A_357 = arith.constant 0 : i32
    %dma_wait3A_358 = arith.constant 0 : i32
    %dma_wait3A_359 = tpu.memref_slice %arg8[%dma_wait3A_357, %dma_wait3A_358] : memref<10000x16xf32, #tpu.memory_space<vmem_shared>> -> memref<10000x16xf32, #tpu.memory_space<vmem_shared>>
    tpu.wait_indirect_dma semaphore(%arg16 : memref<!tpu.dma_semaphore, #tpu.memory_space<semaphore_mem>>) src(%dma_wait3A_359 : memref<10000x16xf32, #tpu.memory_space<vmem_shared>>) dst(%arg11 : memref<2000x16xf32, #tpu.memory_space<vmem>>)
    %add3A_360 = arith.constant 0 : i32
    %add3A_361 = arith.addi %add3A_350, %add3A_360 : i32
    %jit3A_362 = arith.constant 16000 : i32
    %div3A_363 = arith.divsi %add3A_361, %jit3A_362 : i32
    %sign3A_364 = arith.constant 0 : i32
    %sign3A_365 = arith.cmpi sgt, %add3A_361, %sign3A_364 : i32
    %sign3A_366 = arith.extui %sign3A_365 : i1 to i32
    %sign3A_367 = arith.constant 0 : i32
    %sign3A_368 = arith.cmpi slt, %add3A_361, %sign3A_367 : i32
    %sign3A_369 = arith.extui %sign3A_368 : i1 to i32
    %sign3A_370 = arith.subi %sign3A_366, %sign3A_369 : i32
    %sign3A_371 = arith.constant 0 : i32
    %sign3A_372 = arith.cmpi sgt, %jit3A_362, %sign3A_371 : i32
    %sign3A_373 = arith.extui %sign3A_372 : i1 to i32
    %sign3A_374 = arith.constant 0 : i32
    %sign3A_375 = arith.cmpi slt, %jit3A_362, %sign3A_374 : i32
    %sign3A_376 = arith.extui %sign3A_375 : i1 to i32
    %sign3A_377 = arith.subi %sign3A_373, %sign3A_376 : i32
    %ne3A_378 = arith.cmpi ne, %sign3A_370, %sign3A_377 : i32
    %rem3A_379 = arith.remsi %add3A_361, %jit3A_362 : i32
    %ne3A_380 = arith.constant 0 : i32
    %ne3A_381 = arith.cmpi ne, %rem3A_379, %ne3A_380 : i32
    %and3A_382 = arith.andi %ne3A_378, %ne3A_381 : i1
    %sub3A_383 = arith.constant 1 : i32
    %sub3A_384 = arith.subi %div3A_363, %sub3A_383 : i32
    %select_n3A_385 = arith.select %and3A_382, %sub3A_384, %div3A_363 : i32
    %mul3A_386 = arith.constant 2000 : i32
    %mul3A_387 = arith.muli %select_n3A_385, %mul3A_386 : i32
    %jit3A_388 = arith.constant 16000 : i32
    %eq3A_389 = arith.constant 0 : i32
    %eq3A_390 = arith.cmpi eq, %jit3A_388, %eq3A_389 : i32
    %jit3A_391 = arith.constant 1 : i32
    %select_n3A_392 = arith.select %eq3A_390, %jit3A_391, %jit3A_388 : i32
    %rem3A_393 = arith.remsi %add3A_361, %select_n3A_392 : i32
    %ne3A_394 = arith.constant 0 : i32
    %ne3A_395 = arith.cmpi ne, %rem3A_393, %ne3A_394 : i32
    %lt3A_396 = arith.constant 0 : i32
    %lt3A_397 = arith.cmpi slt, %rem3A_393, %lt3A_396 : i32
    %lt3A_398 = arith.constant 0 : i32
    %lt3A_399 = arith.cmpi slt, %select_n3A_392, %lt3A_398 : i32
    %ne3A_400 = arith.xori %lt3A_397, %lt3A_399 : i1
    %and3A_401 = arith.andi %ne3A_400, %ne3A_395 : i1
    %add3A_402 = arith.addi %rem3A_393, %select_n3A_392 : i32
    %select_n3A_403 = arith.select %and3A_401, %add3A_402, %rem3A_393 : i32
    %jit3A_404 = arith.constant 2000 : i32
    %div3A_405 = arith.divsi %select_n3A_403, %jit3A_404 : i32
    %sign3A_406 = arith.constant 0 : i32
    %sign3A_407 = arith.cmpi sgt, %select_n3A_403, %sign3A_406 : i32
    %sign3A_408 = arith.extui %sign3A_407 : i1 to i32
    %sign3A_409 = arith.constant 0 : i32
    %sign3A_410 = arith.cmpi slt, %select_n3A_403, %sign3A_409 : i32
    %sign3A_411 = arith.extui %sign3A_410 : i1 to i32
    %sign3A_412 = arith.subi %sign3A_408, %sign3A_411 : i32
    %sign3A_413 = arith.constant 0 : i32
    %sign3A_414 = arith.cmpi sgt, %jit3A_404, %sign3A_413 : i32
    %sign3A_415 = arith.extui %sign3A_414 : i1 to i32
    %sign3A_416 = arith.constant 0 : i32
    %sign3A_417 = arith.cmpi slt, %jit3A_404, %sign3A_416 : i32
    %sign3A_418 = arith.extui %sign3A_417 : i1 to i32
    %sign3A_419 = arith.subi %sign3A_415, %sign3A_418 : i32
    %ne3A_420 = arith.cmpi ne, %sign3A_412, %sign3A_419 : i32
    %rem3A_421 = arith.remsi %select_n3A_403, %jit3A_404 : i32
    %ne3A_422 = arith.constant 0 : i32
    %ne3A_423 = arith.cmpi ne, %rem3A_421, %ne3A_422 : i32
    %and3A_424 = arith.andi %ne3A_420, %ne3A_423 : i1
    %sub3A_425 = arith.constant 1 : i32
    %sub3A_426 = arith.subi %div3A_405, %sub3A_425 : i32
    %select_n3A_427 = arith.select %and3A_424, %sub3A_426, %div3A_405 : i32
    %mul3A_428 = arith.constant 16 : i32
    %mul3A_429 = arith.muli %select_n3A_427, %mul3A_428 : i32
    "tpu.region"() ({
      %run_scoped3A = tpu.sem_alloc : memref<!tpu.dma_semaphore, #tpu.memory_space<semaphore_mem>>
      %dma_start3A_430 = arith.constant 0 : i32
      %dma_start3A_431 = arith.constant 0 : i32
      %dma_start3A_432 = tpu.memref_slice %arg11[%dma_start3A_430, %dma_start3A_431] : memref<2000x16xf32, #tpu.memory_space<vmem>> -> memref<2000x16xf32, #tpu.memory_space<vmem>>
      %dma_start3A_433 = tpu.memref_slice %arg6[%mul3A_387, %mul3A_429] : memref<40000x128xf32, #tpu.memory_space<hbm>> -> memref<2000x16xf32, #tpu.memory_space<hbm>>
      %dma_start3A_434 = tpu.memref_slice %arg6[%mul3A_387, %mul3A_429] : memref<40000x128xf32, #tpu.memory_space<hbm>> -> memref<2000x16xf32, #tpu.memory_space<hbm>>
      %dma_start3A_435 = arith.constant 0 : i32
      %dma_start3A_436 = arith.constant 0 : i32
      %dma_start3A_437 = tpu.memref_slice %arg11[%dma_start3A_435, %dma_start3A_436] : memref<2000x16xf32, #tpu.memory_space<vmem>> -> memref<2000x16xf32, #tpu.memory_space<vmem>>
      tpu.enqueue_dma source(%dma_start3A_437 : memref<2000x16xf32, #tpu.memory_space<vmem>>) target(%dma_start3A_434 : memref<2000x16xf32, #tpu.memory_space<hbm>>) target_semaphore(%run_scoped3A : memref<!tpu.dma_semaphore, #tpu.memory_space<semaphore_mem>>)
      %dma_wait3A_438 = arith.constant 0 : i32
      %dma_wait3A_439 = arith.constant 0 : i32
      %dma_wait3A_440 = tpu.memref_slice %arg11[%dma_wait3A_438, %dma_wait3A_439] : memref<2000x16xf32, #tpu.memory_space<vmem>> -> memref<2000x16xf32, #tpu.memory_space<vmem>>
      %dma_wait3A_441 = tpu.memref_slice %arg6[%mul3A_387, %mul3A_429] : memref<40000x128xf32, #tpu.memory_space<hbm>> -> memref<2000x16xf32, #tpu.memory_space<hbm>>
      %dma_wait3A_442 = tpu.memref_slice %arg6[%mul3A_387, %mul3A_429] : memref<40000x128xf32, #tpu.memory_space<hbm>> -> memref<2000x16xf32, #tpu.memory_space<hbm>>
      %dma_wait3A_443 = arith.constant 0 : i32
      %dma_wait3A_444 = arith.constant 0 : i32
      %dma_wait3A_445 = tpu.memref_slice %arg11[%dma_wait3A_443, %dma_wait3A_444] : memref<2000x16xf32, #tpu.memory_space<vmem>> -> memref<2000x16xf32, #tpu.memory_space<vmem>>
      tpu.wait_dma2 semaphore(%run_scoped3A : memref<!tpu.dma_semaphore, #tpu.memory_space<semaphore_mem>>) src(%dma_wait3A_445 : memref<2000x16xf32, #tpu.memory_space<vmem>>) dst(%dma_wait3A_442 : memref<2000x16xf32, #tpu.memory_space<hbm>>)
      tpu.yield
    }) : () -> ()
    return
  }
}

module attributes {stable_mosaic.version = 14 : i64} {
  func.func @_proj_body(%arg0: memref<10000x128xf32, #tpu.memory_space<vmem>>, %arg1: memref<256x16xf32, #tpu.memory_space<vmem>>, %arg2: memref<10000x16xf32, #tpu.memory_space<vmem>>, %arg3: memref<10000x16xf32, #tpu.memory_space<vmem>>) attributes {dimension_semantics = [], scalar_prefetch = 0 : i64, scratch_operands = 0 : i64, tpu.core_type = #tpu.core_type<tc>} {
    %get3A = arith.constant 0 : index
    %get3A_0 = arith.constant 0 : index
    %get3A_1 = vector.load %arg0[%get3A, %get3A_0] : memref<10000x128xf32, #tpu.memory_space<vmem>>, vector<10000x128xf32>
    %get3A_2 = arith.constant 0 : index
    %get3A_3 = arith.constant 0 : index
    %get3A_4 = vector.load %arg1[%get3A_2, %get3A_3] : memref<256x16xf32, #tpu.memory_space<vmem>>, vector<256x16xf32>
    %slice3A = vector.extract_strided_slice %get3A_4 {offsets = [0, 0], sizes = [128, 16], strides = [1, 1]} : vector<256x16xf32> to vector<128x16xf32>
    %dot_general3A = arith.constant dense<0.000000e+00> : vector<10000x16xf32>
    %dot_general3A_5 = tpu.matmul %get3A_1, %slice3A, %dot_general3A {dimension_numbers = #tpu.dot_dimension_numbers<[1], [0], [0], [1], [0, 0, 1, 1], [], []>, transpose_lhs_hint = false} : vector<10000x128xf32>, vector<128x16xf32>, vector<10000x16xf32> -> vector<10000x16xf32>
    %swap3A = arith.constant 0 : index
    %swap3A_6 = arith.constant 0 : index
    %swap3A_7 = vector.load %arg2[%swap3A, %swap3A_6] : memref<10000x16xf32, #tpu.memory_space<vmem>>, vector<10000x16xf32>
    tpu.vector_store %arg2[%swap3A, %swap3A_6], %dot_general3A_5 {strides = array<i32>} : memref<10000x16xf32, #tpu.memory_space<vmem>>, vector<10000x16xf32>,
    %slice3A_8 = vector.extract_strided_slice %get3A_4 {offsets = [128, 0], sizes = [128, 16], strides = [1, 1]} : vector<256x16xf32> to vector<128x16xf32>
    %dot_general3A_9 = arith.constant dense<0.000000e+00> : vector<10000x16xf32>
    %dot_general3A_10 = tpu.matmul %get3A_1, %slice3A_8, %dot_general3A_9 {dimension_numbers = #tpu.dot_dimension_numbers<[1], [0], [0], [1], [0, 0, 1, 1], [], []>, transpose_lhs_hint = false} : vector<10000x128xf32>, vector<128x16xf32>, vector<10000x16xf32> -> vector<10000x16xf32>
    %swap3A_11 = arith.constant 0 : index
    %swap3A_12 = arith.constant 0 : index
    %swap3A_13 = vector.load %arg3[%swap3A_11, %swap3A_12] : memref<10000x16xf32, #tpu.memory_space<vmem>>, vector<10000x16xf32>
    tpu.vector_store %arg3[%swap3A_11, %swap3A_12], %dot_general3A_10 {strides = array<i32>} : memref<10000x16xf32, #tpu.memory_space<vmem>>, vector<10000x16xf32>,
    return
  }
}

module attributes {stable_mosaic.version = 14 : i64} {
  func.func @_edge_body(%arg0: i32, %arg1: memref<16x16000xf32, #tpu.memory_space<vmem>>, %arg2: memref<2000x128xf32, #tpu.memory_space<vmem>>, %arg3: memref<16x16xf32, #tpu.memory_space<vmem>>, %arg4: memref<16x1xf32, #tpu.memory_space<vmem>>, %arg5: memref<16x16000xf32, #tpu.memory_space<vmem>>) attributes {dimension_semantics = [#tpu.dimension_semantics<arbitrary>], iteration_bounds = array<i64: 20>, scalar_prefetch = 0 : i64, scratch_operands = 0 : i64, tpu.core_type = #tpu.core_type<tc>, window_params = [{transform_indices = @transform_0, window_bounds = array<i64: 16, 16000>}, {transform_indices = @transform_1, window_bounds = array<i64: 2000, 128>}, {pipeline_mode = #tpu.pipeline_mode<synchronous>, transform_indices = @transform_2, window_bounds = array<i64: 16, 16>}, {pipeline_mode = #tpu.pipeline_mode<synchronous>, transform_indices = @transform_3, window_bounds = array<i64: 16, 1>}, {transform_indices = @transform_4, window_bounds = array<i64: 16, 16000>}]} {
    %get3A = arith.constant 0 : index
    %get3A_0 = arith.constant 0 : index
    %get3A_1 = vector.load %arg1[%get3A, %get3A_0] : memref<16x16000xf32, #tpu.memory_space<vmem>>, vector<16x16000xf32>
    %get3A_2 = arith.constant 0 : index
    %get3A_3 = arith.constant 0 : index
    %get3A_4 = vector.load %arg2[%get3A_2, %get3A_3] : memref<2000x128xf32, #tpu.memory_space<vmem>>, vector<2000x128xf32>
    %iota3A = tpu.iota {dimensions = array<i32: 0>} : vector<16x16xi32>
    %iota3A_5 = tpu.iota {dimensions = array<i32: 1>} : vector<16x16xi32>
    %add3A = arith.constant 0 : i32
    %add3A_6 = vector.broadcast %add3A : i32 to vector<16x16xi32>
    %add3A_7 = arith.addi %iota3A, %add3A_6 : vector<16x16xi32>
    %eq3A = arith.cmpi eq, %add3A_7, %iota3A_5 : vector<16x16xi32>
    %convert_element_type3A = arith.extui %eq3A : vector<16x16xi1> to vector<16x16xi32>
    %convert_element_type3A_8 = arith.sitofp %convert_element_type3A : vector<16x16xi32> to vector<16x16xf32>
    %slice3A = vector.extract_strided_slice %get3A_4 {offsets = [0, 0], sizes = [2000, 16], strides = [1, 1]} : vector<2000x128xf32> to vector<2000x16xf32>
    %dot_general3A = arith.constant dense<0.000000e+00> : vector<16x2000xf32>
    %dot_general3A_9 = tpu.matmul %convert_element_type3A_8, %slice3A, %dot_general3A {dimension_numbers = #tpu.dot_dimension_numbers<[1], [1], [0], [0], [0, 0, 1, 0], [], []>, transpose_lhs_hint = false} : vector<16x16xf32>, vector<2000x16xf32>, vector<16x2000xf32> -> vector<16x2000xf32>
    %slice3A_10 = vector.extract_strided_slice %get3A_4 {offsets = [0, 16], sizes = [2000, 16], strides = [1, 1]} : vector<2000x128xf32> to vector<2000x16xf32>
    %dot_general3A_11 = arith.constant dense<0.000000e+00> : vector<16x2000xf32>
    %dot_general3A_12 = tpu.matmul %convert_element_type3A_8, %slice3A_10, %dot_general3A_11 {dimension_numbers = #tpu.dot_dimension_numbers<[1], [1], [0], [0], [0, 0, 1, 0], [], []>, transpose_lhs_hint = false} : vector<16x16xf32>, vector<2000x16xf32>, vector<16x2000xf32> -> vector<16x2000xf32>
    %slice3A_13 = vector.extract_strided_slice %get3A_4 {offsets = [0, 32], sizes = [2000, 16], strides = [1, 1]} : vector<2000x128xf32> to vector<2000x16xf32>
    %dot_general3A_14 = arith.constant dense<0.000000e+00> : vector<16x2000xf32>
    %dot_general3A_15 = tpu.matmul %convert_element_type3A_8, %slice3A_13, %dot_general3A_14 {dimension_numbers = #tpu.dot_dimension_numbers<[1], [1], [0], [0], [0, 0, 1, 0], [], []>, transpose_lhs_hint = false} : vector<16x16xf32>, vector<2000x16xf32>, vector<16x2000xf32> -> vector<16x2000xf32>
    %slice3A_16 = vector.extract_strided_slice %get3A_4 {offsets = [0, 48], sizes = [2000, 16], strides = [1, 1]} : vector<2000x128xf32> to vector<2000x16xf32>
    %dot_general3A_17 = arith.constant dense<0.000000e+00> : vector<16x2000xf32>
    %dot_general3A_18 = tpu.matmul %convert_element_type3A_8, %slice3A_16, %dot_general3A_17 {dimension_numbers = #tpu.dot_dimension_numbers<[1], [1], [0], [0], [0, 0, 1, 0], [], []>, transpose_lhs_hint = false} : vector<16x16xf32>, vector<2000x16xf32>, vector<16x2000xf32> -> vector<16x2000xf32>
    %slice3A_19 = vector.extract_strided_slice %get3A_4 {offsets = [0, 64], sizes = [2000, 16], strides = [1, 1]} : vector<2000x128xf32> to vector<2000x16xf32>
    %dot_general3A_20 = arith.constant dense<0.000000e+00> : vector<16x2000xf32>
    %dot_general3A_21 = tpu.matmul %convert_element_type3A_8, %slice3A_19, %dot_general3A_20 {dimension_numbers = #tpu.dot_dimension_numbers<[1], [1], [0], [0], [0, 0, 1, 0], [], []>, transpose_lhs_hint = false} : vector<16x16xf32>, vector<2000x16xf32>, vector<16x2000xf32> -> vector<16x2000xf32>
    %slice3A_22 = vector.extract_strided_slice %get3A_4 {offsets = [0, 80], sizes = [2000, 16], strides = [1, 1]} : vector<2000x128xf32> to vector<2000x16xf32>
    %dot_general3A_23 = arith.constant dense<0.000000e+00> : vector<16x2000xf32>
    %dot_general3A_24 = tpu.matmul %convert_element_type3A_8, %slice3A_22, %dot_general3A_23 {dimension_numbers = #tpu.dot_dimension_numbers<[1], [1], [0], [0], [0, 0, 1, 0], [], []>, transpose_lhs_hint = false} : vector<16x16xf32>, vector<2000x16xf32>, vector<16x2000xf32> -> vector<16x2000xf32>
    %slice3A_25 = vector.extract_strided_slice %get3A_4 {offsets = [0, 96], sizes = [2000, 16], strides = [1, 1]} : vector<2000x128xf32> to vector<2000x16xf32>
    %dot_general3A_26 = arith.constant dense<0.000000e+00> : vector<16x2000xf32>
    %dot_general3A_27 = tpu.matmul %convert_element_type3A_8, %slice3A_25, %dot_general3A_26 {dimension_numbers = #tpu.dot_dimension_numbers<[1], [1], [0], [0], [0, 0, 1, 0], [], []>, transpose_lhs_hint = false} : vector<16x16xf32>, vector<2000x16xf32>, vector<16x2000xf32> -> vector<16x2000xf32>
    %slice3A_28 = vector.extract_strided_slice %get3A_4 {offsets = [0, 112], sizes = [2000, 16], strides = [1, 1]} : vector<2000x128xf32> to vector<2000x16xf32>
    %dot_general3A_29 = arith.constant dense<0.000000e+00> : vector<16x2000xf32>
    %dot_general3A_30 = tpu.matmul %convert_element_type3A_8, %slice3A_28, %dot_general3A_29 {dimension_numbers = #tpu.dot_dimension_numbers<[1], [1], [0], [0], [0, 0, 1, 0], [], []>, transpose_lhs_hint = false} : vector<16x16xf32>, vector<2000x16xf32>, vector<16x2000xf32> -> vector<16x2000xf32>
    %concatenate3A = tpu.concatenate %dot_general3A_9, %dot_general3A_12, %dot_general3A_15, %dot_general3A_18, %dot_general3A_21, %dot_general3A_24, %dot_general3A_27, %dot_general3A_30 in 1 : vector<16x2000xf32>, vector<16x2000xf32>, vector<16x2000xf32>, vector<16x2000xf32>, vector<16x2000xf32>, vector<16x2000xf32>, vector<16x2000xf32>, vector<16x2000xf32> -> vector<16x16000xf32>
    %get3A_31 = arith.constant 0 : index
    %get3A_32 = arith.constant 0 : index
    %get3A_33 = vector.load %arg4[%get3A_31, %get3A_32] : memref<16x1xf32, #tpu.memory_space<vmem>>, vector<16x1xf32>
    %add3A_34 = vector.broadcast %get3A_33 : vector<16x1xf32> to vector<16x16000xf32>
    %add3A_35 = arith.addf %concatenate3A, %add3A_34 : vector<16x16000xf32>
    %get3A_36 = arith.constant 0 : index
    %get3A_37 = arith.constant 0 : index
    %get3A_38 = vector.load %arg3[%get3A_36, %get3A_37] : memref<16x16xf32, #tpu.memory_space<vmem>>, vector<16x16xf32>
    %dot_general3A_39 = arith.constant dense<0.000000e+00> : vector<16x16000xf32>
    %dot_general3A_40 = tpu.matmul %get3A_38, %get3A_1, %dot_general3A_39 {dimension_numbers = #tpu.dot_dimension_numbers<[1], [0], [0], [1], [0, 0, 1, 1], [], []>, transpose_lhs_hint = false} : vector<16x16xf32>, vector<16x16000xf32>, vector<16x16000xf32> -> vector<16x16000xf32>
    %add3A_41 = arith.addf %add3A_35, %dot_general3A_40 : vector<16x16000xf32>
    %logistic3A = arith.negf %add3A_41 : vector<16x16000xf32>
    %logistic3A_42 = math.exp %logistic3A : vector<16x16000xf32>
    %logistic3A_43 = arith.constant 1.000000e+00 : f32
    %logistic3A_44 = vector.broadcast %logistic3A_43 : f32 to vector<16x16000xf32>
    %logistic3A_45 = arith.addf %logistic3A_44, %logistic3A_42 : vector<16x16000xf32>
    %logistic3A_46 = arith.divf %logistic3A_44, %logistic3A_45 : vector<16x16000xf32>
    %mul3A = arith.mulf %get3A_1, %logistic3A_46 : vector<16x16000xf32>
    %swap3A = arith.constant 0 : index
    %swap3A_47 = arith.constant 0 : index
    %swap3A_48 = vector.load %arg5[%swap3A, %swap3A_47] : memref<16x16000xf32, #tpu.memory_space<vmem>>, vector<16x16000xf32>
    tpu.vector_store %arg5[%swap3A, %swap3A_47], %mul3A {strides = array<i32>} : memref<16x16000xf32, #tpu.memory_space<vmem>>, vector<16x16000xf32>,
    return
  }
  func.func @transform_0(%arg0: i32) -> (i32, i32) {
    %c0_i32 = arith.constant 0 : i32
    %c0_i32_0 = arith.constant 0 : i32
    return %c0_i32, %arg0 : i32, i32
  }
  func.func @transform_1(%arg0: i32) -> (i32, i32) {
    %c0_i32 = arith.constant 0 : i32
    %c0_i32_0 = arith.constant 0 : i32
    return %arg0, %c0_i32 : i32, i32
  }
  func.func @transform_2(%arg0: i32) -> (i32, i32) {
    %c0_i32 = arith.constant 0 : i32
    %c0_i32_0 = arith.constant 0 : i32
    %c0_i32_1 = arith.constant 0 : i32
    return %c0_i32, %c0_i32_0 : i32, i32
  }
  func.func @transform_3(%arg0: i32) -> (i32, i32) {
    %c0_i32 = arith.constant 0 : i32
    %c0_i32_0 = arith.constant 0 : i32
    %c0_i32_1 = arith.constant 0 : i32
    return %c0_i32, %c0_i32_0 : i32, i32
  }
  func.func @transform_4(%arg0: i32) -> (i32, i32) {
    %c0_i32 = arith.constant 0 : i32
    %c0_i32_0 = arith.constant 0 : i32
    return %c0_i32, %arg0 : i32, i32
  }
}

</mosaic_0001>

<sc_bundles>
// kernel: kernel.5.cloned.1.call-start
scs
__scs_entry_jumppad:
0x0: {  	(pc) =	sbr.rel $0x88, $3  }
0x1: {  	(tag) =	ssettag $0x0;
	lr =	simm.s32 $0x1  }
0x2: {  	[smem:$0x3F9C] =	sst lr;
	_ =	strace $0xD0000000  }
0x3: {  	_ = 	snop  }
0x4: {  	_ = 	snop  }
0x5: {  	_ = 	snop  }
0x6: {  	_ = 	snop  }
0x7: {  	_ = 	snop  }
__scs_overlays_trampoline_lowered:
0x8: {  	[smem:$0x3FAB] =	sst s0  }
0x9: {  	[smem:$0x3FAC] =	sst s1  }
0xa: {  	[smem:$0x3FAD] =	sst s2  }
0xb: {  	[smem:$0x3FAE] =	sst s3  }
0xc: {  	[smem:$0x3FAF] =	sst s4  }
0xd: {  	[smem:$0x3FB0] =	sst s5  }
0xe: {  	[smem:$0x3FB1] =	sst s6  }
0xf: {  	[smem:$0x3FB2] =	sst s7  }
0x10: {  	[smem:$0x3FB3] =	sst s8  }
0x11: {  	[smem:$0x3FB4] =	sst s9;
	s0 =	simm.s32 @!p0 $0x0  }
0x12: {  	s1 =	sld [smem:$0x3F9A];
	s0 =	simm.s32 @p0 $0x1  }
0x13: {  	[smem:$0x3FB5] =	sst s0;
	s0 =	simm.s32 @!p1 $0x0  }
0x14: {  	s2 =	sld [smem:$0x3F99];
	s0 =	simm.s32 @p1 $0x1  }
0x15: {  	[smem:$0x3FB6] =	sst s0;
	s0 =	simm.s32 @!p2 $0x0  }
0x16: {  	s3 =	sld [smem:$0x3FDB];
	s0 =	simm.s32 @p2 $0x1  }
0x17: {  	s4 =	simm.s32 $0x1BF5;
	[smem:$0x3FB8] =	sst s0  }
0x18: {  	s0 =	sld [smem:$0x3F9B];
	_ =	swait.ge [sflag:s4], $0x0  }
0x19: {  	s7 =	sld [smem:$0x3F9C]  }
0x1a: {  	s8 =	sadd.s32 $0xFFFFE003, lr  }
0x1b: {  	s9 =	sadd.s32 $0xFFFFFEF7, lr;
	s5 =	simm.s32 $0xFFFFFFFF;
	p2 =	slt.u32 s8, $0xFFFFF086  }
0x1c: {  	p1 =	slt.u32 s9, $0xF7A;
	s5 =	simm.s32 @!p2 $0x0  }
0x1d: {  	s5 =	simm.s32 @p1 $0x1;
	p0 =	seq.s32 s7, s2  }
0x1e: {  	s7 =	smul.u32 @!p0 $0xF7A, s2;
	p2 =	seq.s32 @!p0 s5, $0x0  }
0x1f: {  	s9 =	smul.u32 $0xF7A, s1;
	s8 =	simm.s32 @!p0 $0x1BF5;
	p2 =	por !p2, p0  }
0x20: {  	[sflag:s8] =	ssyncset.s32 @!p0 $0xFFFFF086;
	s6 =	sadd.s32 @!p0 s3, s7;
	s7 =	simm.s32 @!p0 $0x108  }
0x21: {  	s3 =	sadd.s32 s3, s9;
	s6 =	sadd.s32 @!p0 $0x88, s6;
	s7 =	simm.s32 @p2 $0x1082  }
0x22: {  	[simem:s7], [sflag:s8] =	dma.local @!p0 [hbm:s6], $0xF7A  }
0x23: {  	s9 =	sor.u32 $0xD0000000, s2;
	s6 =	simm.s32 $0x108;
	_ =	swait.ge @!p0 [sflag:s8], $0x0  }
0x24: {  	s3 =	sadd.s32 $0x88, s3;
	s6 =	simm.s32 @!p1 $0x1082;
	[sflag:s4] =	ssyncset.s32 $0xFFFFF086  }
0x25: {  	[simem:s6], [sflag:s4] =	dma.local [hbm:s3], $0xF7A  }
0x26: {  	[smem:$0x3F9C] =	sst s1;
	(tag) =	ssettag s2;
	_ =	strace s9  }
0x27: {  	s1 =	sld [smem:$0x3FAC]  }
0x28: {  	s2 =	sld [smem:$0x3FAD]  }
0x29: {  	s4 =	sld [smem:$0x3FAF]  }
0x2a: {  	p0 =	seq.s32 s5, $0x0;
	s5 =	sld [smem:$0x3FB0]  }
0x2b: {  	s6 =	sld [smem:$0x3FB1]  }
0x2c: {  	s7 =	sld [smem:$0x3FB2]  }
0x2d: {  	s3 =	simm.s32 $0x108;
	s8 =	sld [smem:$0x3FB3]  }
0x2e: {  	s3 =	simm.s32 @!p0 $0x1082;
	s9 =	sld [smem:$0x3FB4]  }
0x2f: {  	lr =	sadd.s32 s0, s3;
	s0 =	sld [smem:$0x3FAB]  }
0x30: {  	s3 =	sld [smem:$0x3FAE]  }
0x31: {  	[smem:$0x3FB7] =	sst s10  }
0x32: {  	s10 =	sld [smem:$0x3FB5];
	_ =	sdelay $0x3  }
0x33: {  	p0 =	seq.s32 s10, $0x1;
	s10 =	sld [smem:$0x3FB7];
	_ =	sdelay $0x3  }
0x34: {  	[smem:$0x3FB7] =	sst s10  }
0x35: {  	s10 =	sld [smem:$0x3FB6];
	_ =	sdelay $0x3  }
0x36: {  	p1 =	seq.s32 s10, $0x1;
	s10 =	sld [smem:$0x3FB7];
	_ =	sdelay $0x3  }
0x37: {  	[smem:$0x3FB7] =	sst s10  }
0x38: {  	s10 =	sld [smem:$0x3FB8]  }
0x39: {  	_ = 	snop;
	(pc) =	sbr.ind lr, $3  }
0x3a: {  	_ = 	snop  }
0x3b: {  	_ = 	snop  }
0x3c: {  	p2 =	seq.s32 s10, $0x1;
	s10 =	sld [smem:$0x3FB7]  }
0x3d: {  	_ =	shalt  }
0x3e: {  	_ =	shalt  }
0x3f: {  	_ =	shalt  }
0x40: {  	_ =	shalt  }
0x41: {  	_ =	shalt  }
0x42: {  	_ =	shalt  }
0x43: {  	_ =	shalt  }
0x44: {  	_ =	shalt  }
0x45: {  	_ =	shalt  }
0x46: {  	_ =	shalt  }
0x47: {  	_ =	shalt  }
0x48: {  	_ =	shalt  }
0x49: {  	_ =	shalt  }
0x4a: {  	_ =	shalt  }
0x4b: {  	_ =	shalt  }
0x4c: {  	_ =	shalt  }
0x4d: {  	_ =	shalt  }
0x4e: {  	_ =	shalt  }
0x4f: {  	_ =	shalt  }
0x50: {  	_ =	shalt  }
0x51: {  	_ =	shalt  }
0x52: {  	_ =	shalt  }
0x53: {  	_ =	shalt  }
0x54: {  	_ =	shalt  }
0x55: {  	_ =	shalt  }
0x56: {  	_ =	shalt  }
0x57: {  	_ =	shalt  }
0x58: {  	_ =	shalt  }
0x59: {  	_ =	shalt  }
0x5a: {  	_ =	shalt  }
0x5b: {  	_ =	shalt  }
0x5c: {  	_ =	shalt  }
0x5d: {  	_ =	shalt  }
0x5e: {  	_ =	shalt  }
0x5f: {  	_ =	shalt  }
0x60: {  	_ =	shalt  }
0x61: {  	_ =	shalt  }
0x62: {  	_ =	shalt  }
0x63: {  	_ =	shalt  }
0x64: {  	_ =	shalt  }
0x65: {  	_ =	shalt  }
0x66: {  	_ =	shalt  }
0x67: {  	_ =	shalt  }
0x68: {  	_ =	shalt  }
0x69: {  	_ =	shalt  }
0x6a: {  	_ =	shalt  }
0x6b: {  	_ =	shalt  }
0x6c: {  	_ =	shalt  }
0x6d: {  	_ =	shalt  }
0x6e: {  	_ =	shalt  }
0x6f: {  	_ =	shalt  }
0x70: {  	_ =	shalt  }
0x71: {  	_ =	shalt  }
0x72: {  	_ =	shalt  }
0x73: {  	_ =	shalt  }
0x74: {  	_ =	shalt  }
0x75: {  	_ =	shalt  }
0x76: {  	_ =	shalt  }
0x77: {  	_ =	shalt  }
0x78: {  	_ =	shalt  }
0x79: {  	_ =	shalt  }
0x7a: {  	_ =	shalt  }
0x7b: {  	_ =	shalt  }
0x7c: {  	_ =	shalt  }
0x7d: {  	_ =	shalt  }
0x7e: {  	_ =	shalt  }
0x7f: {  	_ =	shalt  }
0x80: {  	_ =	shalt  }
0x81: {  	_ =	shalt  }
0x82: {  	_ =	shalt  }
0x83: {  	_ =	shalt  }
0x84: {  	_ =	shalt  }
0x85: {  	_ =	shalt  }
0x86: {  	_ =	shalt  }
0x87: {  	_ =	shalt  }
.Lfunc_end0:
.L_simem_size_0:
called_computation_lowered:
.L_overlay_start_0:
0x88: {  	s2 =	sld [smem:$0x3FD9]  }
0x89: {  	s3 =	sld [smem:$0x3FFE];
	_ =	sdelay $0x1  }
0x8a: {  	s1 =	srdreg.scid  }
0x8b: {  	s0 =	sand.u32 $0x1, s1  }
0x8c: {  	s17 =	sshll.u32 s0, $0xA;
	s2 =	sadd.s32 s3, s2  }
0x8d: {  	s2 =	sadd.s32 s2, s17  }
0x8e: {  	[smem:$0x3FC3] =	sst s2  }
0x8f: {  	_ = 	snop  }
0x90: {  	s2 =	sld [smem:$0x3FD0];
	(tm) =	ssettm $0x1  }
0x91: {  	s18 =	sld [smem:$0x3FFB];
	_ =	sdelay $0x3  }
0x92: {  	_ =	strace s18  }
0x93: {  	s3 =	sld [smem:$0x3FFC];
	_ =	sdelay $0x3  }
0x94: {  	_ =	strace s3  }
0x95: {  	s3 =	sld [smem:$0x3FFD];
	_ =	sdelay $0x3  }
0x96: {  	_ =	strace s3  }
0x97: {  	_ =	strace $0x8FFFFFFF  }
0x98: {  	s19 =	sld [smem:$0x3FDB];
	_ =	sdelay $0x1  }
0x99: {  	s4 =	simm.s32 $_scs_section_size  }
0x9a: {  	s5 =	simm.s32 $_size__tile_overlayer_lowered;
	s6 =	simm.s32 $_tile_overlayer_lowered  }
0x9b: {  	s22 =	simm.s32 $0x1BFF;
	s21 =	sshll.u32 s6, $0x1;
	s3 =	sadd.s32 s4, s19  }
0x9c: {  	s7 =	simm.s32 $0x0;
	s20 =	sshll.u32 s5, $0x1;
	s5 =	sadd.s32 s21, s3  }
0x9d: {  	[timem:s7], [sflag:s22] =	dma.local [hbm:s5], s20  }
0x9e: {  	_ =	swait.ge [sflag:s22], s20  }
0x9f: {  	s4 =	ssub.s32 $0x0, s20;
	[sflag:s22] =	ssyncset.done $0x0  }
0xa0: {  	[sflag:s22] =	ssyncadd.s32 s4;
	_ =	sdelay $0x1  }
0xa1: {  	s23 =	simm.s32 $0x1B8B  }
0xa2: {  	_ =	swait.ge [sflag:s23], $0x1  }
0xa3: {  	[sflag:s23] =	ssyncset.done $0x0  }
0xa4: {  	s25 =	simm.s32 $0x1B8E;
	s24 =	sld [smem:$0x3FFE];
	[sflag:s23] =	ssyncadd.s32 $0xFFFFFFFF  }
0xa5: {  	s26 =	simm.s32 $execute0_lowered;
	[smem:$0x3FD2] =	sst s25  }
0xa6: {  	s5 =	sshll.u32 s26, $0x1;
	_ =	strace $0x80000046;
	[dreg:$0x1] =	wrdreg $0xFFFFFFFF  }
0xa7: {  	s28 =	simm.s32 $_size_execute0_lowered;
	s3 =	sadd.s32 s3, s5;
	[dreg:$0x0] =	wrdreg $0x0  }
0xa8: {  	s5 =	sshll.u32 s28, $0x1;
	[dreg:$0x2] =	wrdreg s3  }
0xa9: {  	[dreg:$0x3] =	wrdreg s5  }
0xaa: {  	[dreg:$0x4] =	wrdreg $0xC0  }
0xab: {  	_ =	task [dreg:s7], $0x5FFFF  }
0xac: {  	[dreg:$0x1] =	wrdreg $0xFFFFFFFF  }
0xad: {  	[dreg:$0x0] =	wrdreg $0x60  }
0xae: {  	[dreg:$0x2] =	wrdreg s24  }
0xaf: {  	[dreg:$0x3] =	wrdreg s2  }
0xb0: {  	[dreg:$0x4] =	wrdreg $0x0  }
0xb1: {  	[dreg:$0x5] =	wrdreg $0x27100  }
0xb2: {  	[dreg:$0x6] =	wrdreg $0x9  }
0xb3: {  	_ =	task.clear_ibuf [dreg:s7], $0x7FFFF;
	_ =	strace $0x90000046  }
0xb4: {  	s29 =	simm.s32 $0x9;
	_ =	strace $0x80000048  }
0xb5: {  	_ =	swait.ge [sflag:s29], $0x1  }
0xb6: {  	[sflag:s29] =	ssyncadd.s32 $0xFFFFFFFF  }
0xb7: {  	_ =	strace $0x90000048  }
0xb8: {  	_ =	sfence  }
0xb9: {  	s30 =	sld [smem:$0x0];
	_ =	sdelay $0x2  }
0xba: {  	s31 =	sshll.u32 s1, $0xD;
	s1 =	sshrl.u32 s1, $0x2  }
0xbb: {  	s3 =	sand.u32 $0x4000, s31;
	s1 =	sadd.s32 s1, s30  }
0xbc: {  	s0 =	sor.u32 s3, s0;
	s1 =	sshll.u32 s1, $0x11  }
0xbd: {  	s0 =	sor.u32 s1, s0  }
0xbe: {  	s0 =	sadd.s32 $0x8F2B, s0  }
0xbf: {  	[sflag:s0] =	ssyncadd.remote.s32 $0x1  }
0xc0: {  	_ =	sfence.sel $0xFFFF  }
0xc1: {  	[dreg:$0x0] =	wrdreg $0xFFFFFFFF;
	(pc) =	sbr.abs _section_cstart, $3  }
0xc2: {  	[dreg:$0x1] =	wrdreg $0xFFFFFFFF  }
0xc3: {  	_ =	task.clear_ibuf [dreg:s7], $0x2FFFF;
	_ =	strace $0x9FFFFFFF  }
0xc4: {  	(tm) =	ssettm $0x7FFFFFFF  }
0xc5: {  	_ =	shalt  }
tec
execute0_lowered:
.L_overlay_start_1:
0x0: {  	(tag) =	ssettag $0x1  }
0x1: {  	s0 =	rddreg [dreg:$0x0]  }
0x2: {  	s4 =	rddreg [dreg:$0x1]  }
0x3: {  	s1 =	srdreg.scid;
	s2 =	rddreg [dreg:$0x2]  }
0x4: {  	s5 =	stileid.u32;
	s30 =	rddreg [dreg:$0x4];
	p1 =	por $0x0, $0x0  }
0x5: {  	s8 =	sand.u32 $0x1, s1;
	s16 =	sshll.u32 s5, $0x1;
	s1 =	rddreg [dreg:$0x3]  }
0x6: {  	s7 =	sadd.s32 $0xB400, s0;
	s17 =	sadd.s32 $0x10400, s0;
	s3 =	sor.u32 s8, s16  }
0x7: {  	p0 =	sne.s32 s5, $0x0;
	s9 =	smul.u32 $0x2710, s3;
	s3 =	simm.s32 $0x0  }
0x8: {  	s5 =	simm.s32 $0x5;
	s8 =	ssub.s32 $0x2, s8;
	[smem:$0x7FF] =	sst s3  }
0x9: {  	s28 =	sshrl.u32 @!p0 s2, $0x3;
	_ =	strace $0x80000047;
	[dreg:$0x5] =	wrdreg s7  }
0xa: {  	s19 =	sshrl.u32 s8, $0x1;
	s6 =	smulhi.u32 $0x83127, s9;
	[dreg:$0x6] =	wrdreg s17  }
0xb: {  	s7 =	sadd.s32 $0x1600, s0;
	s18 =	sshrl.u32 s9, $0x3;
	s20 =	sadd.s32 $0x7D0, s9  }
0xc: {  	s22 =	sadd.s32 $0xFA0, s9;
	s17 =	sadd.s32 $0x1770, s9;
	s15 =	smulhi.u32 $0x83127, s20  }
0xd: {  	s12 =	sadd.s32 s7, s18;
	s24 =	smulhi.u32 $0x83127, s22;
	s10 =	sshrl.u32 s6, $0x1  }
0xe: {  	s6 =	sadd.s32 $0x15400, s0;
	s0 =	sadd.s32 s4, s18;
	s18 =	smulhi.u32 $0x83127, s17  }
0xf: {  	s13 =	sshrl.u32 s20, $0x3;
	s25 =	sshrl.u32 s22, $0x3;
	s11 =	smul.u32 $0x3E80, s10  }
0x10: {  	[dreg:$0x7] =	wrdreg s12;
	s10 =	smul.u32 $0x3E800, s10;
	s21 =	sshrl.u32 s15, $0x1  }
0x11: {  	s12 =	ssub.s32 s8, s19;
	s8 =	sshrl.u32 s24, $0x1;
	s23 =	smul.u32 $0x3E80, s21  }
0x12: {  	s16 =	sshrl.u32 s17, $0x3;
	s14 =	sadd.s32 s7, s13;
	s29 =	smul.u32 $0x3E800, s8  }
0x13: {  	s13 =	sadd.s32 s4, s13;
	s8 =	smul.u32 $0x3E80, s8;
	s11 =	ssub.s32 s9, s11  }
0x14: {  	s26 =	sadd.s32 s7, s25;
	s9 =	sadd.s32 $0x1F40, s9;
	s11 =	smul.u32 $0x20C5, s11  }
0x15: {  	[dreg:$0x8] =	wrdreg s0;
	s0 =	ssub.s32 s20, s23;
	s19 =	smulhi.u32 $0x83127, s9  }
0x16: {  	[dreg:$0x9] =	wrdreg s14;
	s8 =	ssub.s32 s22, s8;
	s0 =	smul.u32 $0x20C5, s0  }
0x17: {  	[dreg:$0xa] =	wrdreg s13;
	s20 =	sshrl.u32 s18, $0x1;
	s8 =	smul.u32 $0x20C5, s8  }
0x18: {  	[dreg:$0xc] =	wrdreg s26;
	s18 =	simm.s32 $0xEA60;
	s15 =	smul.u32 $0x3E80, s20  }
0x19: {  	s23 =	smul.u32 $0x3E800, s20;
	s11 =	sshrl.u32 s11, $0x14;
	s13 =	sshrl.u32 s19, $0x1  }
0x1a: {  	s20 =	simm.s32 $0xE290;
	s11 =	sand.u32 $0xF0, s11;
	s22 =	smul.u32 $0x3E80, s13  }
0x1b: {  	s0 =	sshrl.u32 s0, $0x14;
	s24 =	smul.u32 $0x3E800, s13;
	s13 =	simm.s32 $0x1  }
0x1c: {  	s10 =	sor.u32 s11, s10;
	s11 =	smul.u32 $0x3E800, s21;
	s0 =	sand.u32 $0xF0, s0  }
0x1d: {  	s21 =	sshrl.u32 s8, $0x14;
	s10 =	sshrl.u32 s10, $0x3;
	s8 =	ssub.s32 s9, s22  }
0x1e: {  	s22 =	sadd.s32 s7, s16;
	s9 =	sshrl.u32 s9, $0x3;
	s10 =	sadd.s32 s6, s10  }
0x1f: {  	s0 =	sor.u32 s0, s11;
	s8 =	smul.u32 $0x20C5, s8;
	s11 =	simm.s32 $0x10  }
0x20: {  	[dreg:$0xb] =	wrdreg s10;
	s10 =	sadd.s32 s4, s25;
	s0 =	sshrl.u32 s0, $0x3  }
0x21: {  	[dreg:$0xd] =	wrdreg s10;
	s19 =	sadd.s32 s6, s0;
	s0 =	sand.u32 $0xF0, s21  }
0x22: {  	s10 =	ssub.s32 s17, s15;
	s21 =	sadd.s32 s4, s16;
	s8 =	sshrl.u32 s8, $0x14  }
0x23: {  	s17 =	sadd.s32 s7, s9;
	s16 =	sadd.s32 s4, s9;
	s15 =	simm.s32 $0x4E20  }
0x24: {  	s7 =	simm.s32 $0x55F0;
	s9 =	simm.s32 $0x7D0;
	s0 =	sor.u32 s0, s29  }
0x25: {  	s10 =	smul.u32 $0x20C5, s10;
	s8 =	sand.u32 $0xF0, s8;
	s29 =	smax.u32 s12, $0x1  }
0x26: {  	s12 =	simm.s32 $0x80;
	s0 =	sshrl.u32 s0, $0x3;
	s31 =	sadd.s32 $0xFFFFFFFF, s29  }
0x27: {  	s25 =	sor.u32 s8, s24;
	s24 =	simm.s32 $0x3;
	p2 =	sne.s32 s31, $0x0  }
.Ltmp0:
0x28: {  	s14 =	sadd.s32 s6, s0;
	s10 =	sshrl.u32 s10, $0x14;
	(pc) =	sbr.rel @!p2 .LBB2_5-.Ltmp0, $4  }
0x29: {  	s26 =	sshrl.u32 s25, $0x3;
	s25 =	simm.s32 $0xDAC0;
	s10 =	sand.u32 $0xF0, s10  }
0x2a: {  	s4 =	sadd.s32 s6, s26;
	s26 =	sshrl.u32 @!p0 s1, $0x3;
	s0 =	sor.u32 s10, s23  }
0x2b: {  	s10 =	simm.s32 $0x2;
	s23 =	simm.s32 $0x4;
	s0 =	sshrl.u32 s0, $0x3  }
0x2c: {  	s8 =	sadd.s32 s6, s0;
	s6 =	simm.s32 $0x5DC0;
	s0 =	rddreg [dreg:$0x5]  }
0x2d: {  	s29 =	simm.s32 @!p0 $0x1C05;
	s30 =	simm.s32 @!p0 $0x5  }
0x2e: {  	[spmem:s28], [sflag:s29] =	dma.local @!p0 [hbm:s0], $0x4E20  }
0x2f: {  	_ =	swait.ge @!p0 [sflag:s30], $0x4E20  }
0x30: {  	[sflag:s30] =	ssyncset.done @!p0 $0x0  }
0x31: {  	s0 =	rddreg [dreg:$0x6];
	[sflag:s30] =	ssyncadd.s32 @!p0 $0xFFFFB1E0  }
0x32: {  	[spmem:s26], [sflag:s29] =	dma.local @!p0 [hbm:s0], $0x4E20  }
0x33: {  	_ =	swait.ge @!p0 [sflag:s30], $0x4E20  }
0x34: {  	[sflag:s30] =	ssyncset.done @!p0 $0x0  }
0x35: {  	[sflag:s30] =	ssyncadd.s32 @!p0 $0xFFFFB1E0  }
0x36: {  	[bflag:$0x0] =	sbarrier.arrive $0xFFFF  }
0x37: {  	s0 =	rddreg [dreg:$0x7]  }
0x38: {  	[tilespmem:s15], [sflag:$0x5] =	stream.linear.gather [hbm4b:s0+s3], $0x7D0, $0x38;
	[tilespmem:$0x16760] =	vst v63  }
0x39: {  	_ =	swait.ge [sflag:s5], $0x7D0  }
0x3a: {  	[sflag:s5] =	ssyncset.done $0x0  }
0x3b: {  	s0 =	rddreg [dreg:$0x8];
	[sflag:s5] =	ssyncadd.s32 $0xFFFFF830  }
0x3c: {  	[tilespmem:s7], [sflag:$0x5] =	stream.linear.gather [hbm4b:s0+s3], $0x7D0, $0x38;
	[tilespmem:$0x16760] =	vst v63  }
0x3d: {  	_ =	swait.ge [sflag:s5], $0x7D0  }
0x3e: {  	[sflag:s5] =	ssyncset.done $0x0  }
0x3f: {  	[sflag:s5] =	ssyncadd.s32 $0xFFFFF830  }
0x40: {  	[tilespmem:s6], [sflag:$0x1] =	stream.indirect.gather [spmem:s2], $0x10, s15, s9, $0xb8;
	[tilespmem:$0x16760] =	vst v63  }
0x41: {  	s0 =	rddreg [dreg:$0x9]  }
0x42: {  	[tilespmem:s25], [sflag:$0x5] =	stream.linear.gather [hbm4b:s0+s3], $0x7D0, $0x38;
	[tilespmem:$0x16760] =	vst v63  }
0x43: {  	_ =	swait.ge [sflag:s5], $0x7D0  }
0x44: {  	[sflag:s5] =	ssyncset.done $0x0  }
0x45: {  	s0 =	rddreg [dreg:$0xa];
	[sflag:s5] =	ssyncadd.s32 $0xFFFFF830  }
0x46: {  	[tilespmem:s20], [sflag:$0x5] =	stream.linear.gather [hbm4b:s0+s3], $0x7D0, $0x38;
	[tilespmem:$0x16760] =	vst v63  }
0x47: {  	_ =	swait.ge [sflag:s5], $0x7D0  }
0x48: {  	[sflag:s5] =	ssyncset.done $0x0  }
0x49: {  	[sflag:s5] =	ssyncadd.s32 $0xFFFFF830  }
0x4a: {  	_ =	swait.ge [sflag:s13], $0x7D00  }
0x4b: {  	[sflag:s13] =	ssyncset.done $0x0  }
0x4c: {  	[sflag:s13] =	ssyncadd.s32 $0xFFFF8300  }
0x4d: {  	[tilespmem:s6], [sflag:$0x2] =	stream.indirect.gather.add.f32 [spmem:s1], $0x10, s7, s9, $0xb8;
	[tilespmem:$0x16760] =	vst v63  }
0x4e: {  	_ = 	snop  }
0x4f: {  	[tilespmem:s18], [sflag:$0x3] =	stream.indirect.gather [spmem:s2], $0x10, s25, s9, $0xb8;
	[tilespmem:$0x16760] =	vst v63  }
0x50: {  	_ =	swait.ge [sflag:s10], $0x7D00  }
0x51: {  	[sflag:s10] =	ssyncset.done $0x0  }
0x52: {  	s0 =	rddreg [dreg:$0xb];
	[sflag:s10] =	ssyncadd.s32 $0xFFFF8300  }
0x53: {  	[hbm4b:s0+s11] =	stream.strided.scatter [tilespmem:s6], [sflag:$0x5], $0x7D00, s12, s11, $0x38;
	[tilespmem:$0x16760] =	vst v63  }
0x54: {  	_ =	swait.ge [sflag:s5], $0x7D00  }
0x55: {  	[sflag:s5] =	ssyncset.done $0x0  }
0x56: {  	s0 =	rddreg [dreg:$0xc];
	[sflag:s5] =	ssyncadd.s32 $0xFFFF8300  }
0x57: {  	[tilespmem:s15], [sflag:$0x5] =	stream.linear.gather [hbm4b:s0+s3], $0x7D0, $0x38;
	[tilespmem:$0x16760] =	vst v63  }
0x58: {  	_ =	swait.ge [sflag:s5], $0x7D0  }
0x59: {  	[sflag:s5] =	ssyncset.done $0x0  }
0x5a: {  	s0 =	rddreg [dreg:$0xd];
	[sflag:s5] =	ssyncadd.s32 $0xFFFFF830  }
0x5b: {  	[tilespmem:s7], [sflag:$0x5] =	stream.linear.gather [hbm4b:s0+s3], $0x7D0, $0x38;
	[tilespmem:$0x16760] =	vst v63  }
0x5c: {  	_ =	swait.ge [sflag:s5], $0x7D0  }
0x5d: {  	[sflag:s5] =	ssyncset.done $0x0  }
0x5e: {  	[sflag:s5] =	ssyncadd.s32 $0xFFFFF830  }
0x5f: {  	_ =	swait.ge [sflag:s24], $0x7D00  }
0x60: {  	[sflag:s24] =	ssyncset.done $0x0  }
0x61: {  	[sflag:s24] =	ssyncadd.s32 $0xFFFF8300  }
0x62: {  	[tilespmem:s18], [sflag:$0x4] =	stream.indirect.gather.add.f32 [spmem:s1], $0x10, s20, s9, $0xb8;
	[tilespmem:$0x16760] =	vst v63  }
0x63: {  	_ = 	snop  }
0x64: {  	[tilespmem:s6], [sflag:$0x1] =	stream.indirect.gather [spmem:s2], $0x10, s15, s9, $0xb8;
	[tilespmem:$0x16760] =	vst v63  }
0x65: {  	_ =	swait.ge [sflag:s23], $0x7D00  }
0x66: {  	[sflag:s23] =	ssyncset.done $0x0  }
0x67: {  	[sflag:s23] =	ssyncadd.s32 $0xFFFF8300  }
0x68: {  	[hbm4b:s19+s11] =	stream.strided.scatter [tilespmem:s18], [sflag:$0x5], $0x7D00, s12, s11, $0x38;
	[tilespmem:$0x16760] =	vst v63  }
0x69: {  	_ =	swait.ge [sflag:s5], $0x7D00  }
0x6a: {  	[sflag:s5] =	ssyncset.done $0x0  }
0x6b: {  	[sflag:s5] =	ssyncadd.s32 $0xFFFF8300  }
0x6c: {  	[tilespmem:s25], [sflag:$0x5] =	stream.linear.gather [hbm4b:s22+s3], $0x7D0, $0x38;
	[tilespmem:$0x16760] =	vst v63  }
0x6d: {  	_ =	swait.ge [sflag:s5], $0x7D0  }
0x6e: {  	[sflag:s5] =	ssyncset.done $0x0  }
0x6f: {  	[sflag:s5] =	ssyncadd.s32 $0xFFFFF830  }
0x70: {  	[tilespmem:s20], [sflag:$0x5] =	stream.linear.gather [hbm4b:s21+s3], $0x7D0, $0x38;
	[tilespmem:$0x16760] =	vst v63  }
0x71: {  	_ =	swait.ge [sflag:s5], $0x7D0  }
0x72: {  	[sflag:s5] =	ssyncset.done $0x0  }
0x73: {  	[sflag:s5] =	ssyncadd.s32 $0xFFFFF830  }
0x74: {  	_ =	swait.ge [sflag:s13], $0x7D00  }
0x75: {  	[sflag:s13] =	ssyncset.done $0x0  }
0x76: {  	[sflag:s13] =	ssyncadd.s32 $0xFFFF8300  }
0x77: {  	[tilespmem:s6], [sflag:$0x2] =	stream.indirect.gather.add.f32 [spmem:s1], $0x10, s7, s9, $0xb8;
	[tilespmem:$0x16760] =	vst v63  }
0x78: {  	_ = 	snop  }
0x79: {  	[tilespmem:s18], [sflag:$0x3] =	stream.indirect.gather [spmem:s2], $0x10, s25, s9, $0xb8;
	[tilespmem:$0x16760] =	vst v63  }
0x7a: {  	_ =	swait.ge [sflag:s10], $0x7D00  }
0x7b: {  	[sflag:s10] =	ssyncset.done $0x0  }
0x7c: {  	[sflag:s10] =	ssyncadd.s32 $0xFFFF8300  }
0x7d: {  	[hbm4b:s14+s11] =	stream.strided.scatter [tilespmem:s6], [sflag:$0x5], $0x7D00, s12, s11, $0x38;
	[tilespmem:$0x16760] =	vst v63  }
0x7e: {  	_ =	swait.ge [sflag:s5], $0x7D00  }
0x7f: {  	[sflag:s5] =	ssyncset.done $0x0  }
0x80: {  	[sflag:s5] =	ssyncadd.s32 $0xFFFF8300  }
0x81: {  	[tilespmem:s15], [sflag:$0x5] =	stream.linear.gather [hbm4b:s17+s3], $0x7D0, $0x38;
	[tilespmem:$0x16760] =	vst v63  }
0x82: {  	_ =	swait.ge [sflag:s5], $0x7D0  }
0x83: {  	[sflag:s5] =	ssyncset.done $0x0  }
0x84: {  	[sflag:s5] =	ssyncadd.s32 $0xFFFFF830  }
0x85: {  	[tilespmem:s7], [sflag:$0x5] =	stream.linear.gather [hbm4b:s16+s3], $0x7D0, $0x38;
	[tilespmem:$0x16760] =	vst v63  }
0x86: {  	_ =	swait.ge [sflag:s5], $0x7D0  }
0x87: {  	[sflag:s5] =	ssyncset.done $0x0  }
0x88: {  	[sflag:s5] =	ssyncadd.s32 $0xFFFFF830  }
0x89: {  	_ =	swait.ge [sflag:s24], $0x7D00  }
0x8a: {  	[sflag:s24] =	ssyncset.done $0x0  }
0x8b: {  	[sflag:s24] =	ssyncadd.s32 $0xFFFF8300  }
0x8c: {  	[tilespmem:s18], [sflag:$0x4] =	stream.indirect.gather.add.f32 [spmem:s1], $0x10, s20, s9, $0xb8;
	[tilespmem:$0x16760] =	vst v63  }
0x8d: {  	_ = 	snop  }
0x8e: {  	[tilespmem:s6], [sflag:$0x1] =	stream.indirect.gather [spmem:s2], $0x10, s15, s9, $0xb8;
	[tilespmem:$0x16760] =	vst v63  }
0x8f: {  	_ =	swait.ge [sflag:s23], $0x7D00  }
0x90: {  	[sflag:s23] =	ssyncset.done $0x0  }
0x91: {  	[sflag:s23] =	ssyncadd.s32 $0xFFFF8300  }
0x92: {  	[hbm4b:s8+s11] =	stream.strided.scatter [tilespmem:s18], [sflag:$0x5], $0x7D00, s12, s11, $0x38;
	[tilespmem:$0x16760] =	vst v63  }
0x93: {  	_ =	swait.ge [sflag:s5], $0x7D00  }
0x94: {  	[sflag:s5] =	ssyncset.done $0x0  }
0x95: {  	[sflag:s5] =	ssyncadd.s32 $0xFFFF8300  }
0x96: {  	_ =	swait.ge [sflag:s13], $0x7D00  }
0x97: {  	[sflag:s13] =	ssyncset.done $0x0  }
0x98: {  	s31 =	sadd.s32 $0xFFFFFFFF, s31;
	[sflag:s13] =	ssyncadd.s32 $0xFFFF8300  }
0x99: {  	[tilespmem:s6], [sflag:$0x2] =	stream.indirect.gather.add.f32 [spmem:s1], $0x10, s7, s9, $0xb8;
	[tilespmem:$0x16760] =	vst v63  }
0x9a: {  	p2 =	sne.s32 s31, $0x0;
	_ =	swait.ge [sflag:s10], $0x7D00  }
.Ltmp1:
0x9b: {  	[sflag:s10] =	ssyncset.done $0x0;
	(pc) =	sbr.rel @!p2 .LBB2_2-.Ltmp1, $4  }
0x9c: {  	[sflag:s10] =	ssyncadd.s32 $0xFFFF8300  }
0x9d: {  	[hbm4b:s4+s11] =	stream.strided.scatter [tilespmem:s6], [sflag:$0x5], $0x7D00, s12, s11, $0x38;
	[tilespmem:$0x16760] =	vst v63  }
0x9e: {  	_ =	swait.ge [sflag:s5], $0x7D00  }
0x9f: {  	p1 =	por $0x1, $0x1;
	s0 =	rddreg [dreg:$0x5];
	[sflag:s5] =	ssyncset.done $0x0  }
.LBB2_3:
0xa0: {  	[sflag:s5] =	ssyncadd.s32 $0xFFFF8300  }
0xa1: {  	[spmem:s28], [sflag:s29] =	dma.local @!p0 [hbm:s0], $0x4E20  }
0xa2: {  	_ =	swait.ge @!p0 [sflag:s30], $0x4E20  }
0xa3: {  	[sflag:s30] =	ssyncset.done @!p0 $0x0  }
0xa4: {  	s0 =	rddreg [dreg:$0x6];
	[sflag:s30] =	ssyncadd.s32 @!p0 $0xFFFFB1E0  }
0xa5: {  	[spmem:s26], [sflag:s29] =	dma.local @!p0 [hbm:s0], $0x4E20  }
0xa6: {  	_ =	swait.ge @!p0 [sflag:s30], $0x4E20  }
0xa7: {  	[sflag:s30] =	ssyncset.done @!p0 $0x0  }
0xa8: {  	[sflag:s30] =	ssyncadd.s32 @!p0 $0xFFFFB1E0  }
0xa9: {  	[bflag:$0x0] =	sbarrier.arrive $0xFFFF  }
0xaa: {  	s0 =	rddreg [dreg:$0x7]  }
0xab: {  	[tilespmem:s15], [sflag:$0x5] =	stream.linear.gather [hbm4b:s0+s3], $0x7D0, $0x38;
	[tilespmem:$0x16760] =	vst v63  }
0xac: {  	_ =	swait.ge [sflag:s5], $0x7D0  }
0xad: {  	[sflag:s5] =	ssyncset.done $0x0  }
0xae: {  	s0 =	rddreg [dreg:$0x8];
	[sflag:s5] =	ssyncadd.s32 $0xFFFFF830  }
0xaf: {  	[tilespmem:s7], [sflag:$0x5] =	stream.linear.gather [hbm4b:s0+s3], $0x7D0, $0x38;
	[tilespmem:$0x16760] =	vst v63  }
0xb0: {  	_ =	swait.ge [sflag:s5], $0x7D0  }
0xb1: {  	[sflag:s5] =	ssyncset.done $0x0  }
0xb2: {  	[sflag:s5] =	ssyncadd.s32 $0xFFFFF830  }
0xb3: {  	[tilespmem:s6], [sflag:$0x1] =	stream.indirect.gather [spmem:s2], $0x10, s15, s9, $0xb8;
	[tilespmem:$0x16760] =	vst v63  }
0xb4: {  	s0 =	rddreg [dreg:$0x9]  }
0xb5: {  	[tilespmem:s25], [sflag:$0x5] =	stream.linear.gather [hbm4b:s0+s3], $0x7D0, $0x38;
	[tilespmem:$0x16760] =	vst v63  }
0xb6: {  	_ =	swait.ge [sflag:s5], $0x7D0  }
0xb7: {  	[sflag:s5] =	ssyncset.done $0x0  }
0xb8: {  	s0 =	rddreg [dreg:$0xa];
	[sflag:s5] =	ssyncadd.s32 $0xFFFFF830  }
0xb9: {  	[tilespmem:s20], [sflag:$0x5] =	stream.linear.gather [hbm4b:s0+s3], $0x7D0, $0x38;
	[tilespmem:$0x16760] =	vst v63  }
0xba: {  	_ =	swait.ge [sflag:s5], $0x7D0  }
0xbb: {  	[sflag:s5] =	ssyncset.done $0x0  }
0xbc: {  	[sflag:s5] =	ssyncadd.s32 $0xFFFFF830  }
0xbd: {  	_ =	swait.ge [sflag:s13], $0x7D00  }
0xbe: {  	[sflag:s13] =	ssyncset.done $0x0  }
0xbf: {  	[sflag:s13] =	ssyncadd.s32 $0xFFFF8300  }
0xc0: {  	[tilespmem:s6], [sflag:$0x2] =	stream.indirect.gather.add.f32 [spmem:s1], $0x10, s7, s9, $0xb8;
	[tilespmem:$0x16760] =	vst v63  }
0xc1: {  	_ = 	snop  }
0xc2: {  	[tilespmem:s18], [sflag:$0x3] =	stream.indirect.gather [spmem:s2], $0x10, s25, s9, $0xb8;
	[tilespmem:$0x16760] =	vst v63  }
0xc3: {  	_ =	swait.ge [sflag:s10], $0x7D00  }
0xc4: {  	[sflag:s10] =	ssyncset.done $0x0  }
0xc5: {  	s0 =	rddreg [dreg:$0xb];
	[sflag:s10] =	ssyncadd.s32 $0xFFFF8300  }
0xc6: {  	[hbm4b:s0+s11] =	stream.strided.scatter [tilespmem:s6], [sflag:$0x5], $0x7D00, s12, s11, $0x38;
	[tilespmem:$0x16760] =	vst v63  }
0xc7: {  	_ =	swait.ge [sflag:s5], $0x7D00  }
0xc8: {  	[sflag:s5] =	ssyncset.done $0x0  }
0xc9: {  	s0 =	rddreg [dreg:$0xc];
	[sflag:s5] =	ssyncadd.s32 $0xFFFF8300  }
0xca: {  	[tilespmem:s15], [sflag:$0x5] =	stream.linear.gather [hbm4b:s0+s3], $0x7D0, $0x38;
	[tilespmem:$0x16760] =	vst v63  }
0xcb: {  	_ =	swait.ge [sflag:s5], $0x7D0  }
0xcc: {  	[sflag:s5] =	ssyncset.done $0x0  }
0xcd: {  	s0 =	rddreg [dreg:$0xd];
	[sflag:s5] =	ssyncadd.s32 $0xFFFFF830  }
0xce: {  	[tilespmem:s7], [sflag:$0x5] =	stream.linear.gather [hbm4b:s0+s3], $0x7D0, $0x38;
	[tilespmem:$0x16760] =	vst v63  }
0xcf: {  	_ =	swait.ge [sflag:s5], $0x7D0  }
0xd0: {  	[sflag:s5] =	ssyncset.done $0x0  }
0xd1: {  	[sflag:s5] =	ssyncadd.s32 $0xFFFFF830  }
0xd2: {  	_ =	swait.ge [sflag:s24], $0x7D00  }
0xd3: {  	[sflag:s24] =	ssyncset.done $0x0  }
0xd4: {  	[sflag:s24] =	ssyncadd.s32 $0xFFFF8300  }
0xd5: {  	[tilespmem:s18], [sflag:$0x4] =	stream.indirect.gather.add.f32 [spmem:s1], $0x10, s20, s9, $0xb8;
	[tilespmem:$0x16760] =	vst v63  }
0xd6: {  	_ = 	snop  }
0xd7: {  	[tilespmem:s6], [sflag:$0x1] =	stream.indirect.gather [spmem:s2], $0x10, s15, s9, $0xb8;
	[tilespmem:$0x16760] =	vst v63  }
0xd8: {  	_ =	swait.ge [sflag:s23], $0x7D00  }
0xd9: {  	[sflag:s23] =	ssyncset.done $0x0  }
0xda: {  	[sflag:s23] =	ssyncadd.s32 $0xFFFF8300  }
0xdb: {  	[hbm4b:s19+s11] =	stream.strided.scatter [tilespmem:s18], [sflag:$0x5], $0x7D00, s12, s11, $0x38;
	[tilespmem:$0x16760] =	vst v63  }
0xdc: {  	_ =	swait.ge [sflag:s5], $0x7D00  }
0xdd: {  	[sflag:s5] =	ssyncset.done $0x0  }
0xde: {  	[sflag:s5] =	ssyncadd.s32 $0xFFFF8300  }
0xdf: {  	[tilespmem:s25], [sflag:$0x5] =	stream.linear.gather [hbm4b:s22+s3], $0x7D0, $0x38;
	[tilespmem:$0x16760] =	vst v63  }
0xe0: {  	_ =	swait.ge [sflag:s5], $0x7D0  }
0xe1: {  	[sflag:s5] =	ssyncset.done $0x0  }
0xe2: {  	[sflag:s5] =	ssyncadd.s32 $0xFFFFF830  }
0xe3: {  	[tilespmem:s20], [sflag:$0x5] =	stream.linear.gather [hbm4b:s21+s3], $0x7D0, $0x38;
	[tilespmem:$0x16760] =	vst v63  }
0xe4: {  	_ =	swait.ge [sflag:s5], $0x7D0  }
0xe5: {  	[sflag:s5] =	ssyncset.done $0x0  }
0xe6: {  	[sflag:s5] =	ssyncadd.s32 $0xFFFFF830  }
0xe7: {  	_ =	swait.ge [sflag:s13], $0x7D00  }
0xe8: {  	[sflag:s13] =	ssyncset.done $0x0  }
0xe9: {  	[sflag:s13] =	ssyncadd.s32 $0xFFFF8300  }
0xea: {  	[tilespmem:s6], [sflag:$0x2] =	stream.indirect.gather.add.f32 [spmem:s1], $0x10, s7, s9, $0xb8;
	[tilespmem:$0x16760] =	vst v63  }
0xeb: {  	_ = 	snop  }
0xec: {  	[tilespmem:s18], [sflag:$0x3] =	stream.indirect.gather [spmem:s2], $0x10, s25, s9, $0xb8;
	[tilespmem:$0x16760] =	vst v63  }
0xed: {  	_ =	swait.ge [sflag:s10], $0x7D00  }
0xee: {  	[sflag:s10] =	ssyncset.done $0x0  }
0xef: {  	[sflag:s10] =	ssyncadd.s32 $0xFFFF8300  }
0xf0: {  	[hbm4b:s14+s11] =	stream.strided.scatter [tilespmem:s6], [sflag:$0x5], $0x7D00, s12, s11, $0x38;
	[tilespmem:$0x16760] =	vst v63  }
0xf1: {  	_ =	swait.ge [sflag:s5], $0x7D00  }
0xf2: {  	[sflag:s5] =	ssyncset.done $0x0  }
0xf3: {  	[sflag:s5] =	ssyncadd.s32 $0xFFFF8300  }
0xf4: {  	[tilespmem:s15], [sflag:$0x5] =	stream.linear.gather [hbm4b:s17+s3], $0x7D0, $0x38;
	[tilespmem:$0x16760] =	vst v63  }
0xf5: {  	_ =	swait.ge [sflag:s5], $0x7D0  }
0xf6: {  	[sflag:s5] =	ssyncset.done $0x0  }
0xf7: {  	[sflag:s5] =	ssyncadd.s32 $0xFFFFF830  }
0xf8: {  	[tilespmem:s7], [sflag:$0x5] =	stream.linear.gather [hbm4b:s16+s3], $0x7D0, $0x38;
	[tilespmem:$0x16760] =	vst v63  }
0xf9: {  	_ =	swait.ge [sflag:s5], $0x7D0  }
0xfa: {  	[sflag:s5] =	ssyncset.done $0x0  }
0xfb: {  	[sflag:s5] =	ssyncadd.s32 $0xFFFFF830  }
0xfc: {  	_ =	swait.ge [sflag:s24], $0x7D00  }
0xfd: {  	[sflag:s24] =	ssyncset.done $0x0  }
0xfe: {  	[sflag:s24] =	ssyncadd.s32 $0xFFFF8300  }
0xff: {  	[tilespmem:s18], [sflag:$0x4] =	stream.indirect.gather.add.f32 [spmem:s1], $0x10, s20, s9, $0xb8;
	[tilespmem:$0x16760] =	vst v63  }
0x100: {  	_ = 	snop  }
0x101: {  	[tilespmem:s6], [sflag:$0x1] =	stream.indirect.gather [spmem:s2], $0x10, s15, s9, $0xb8;
	[tilespmem:$0x16760] =	vst v63  }
0x102: {  	_ =	swait.ge [sflag:s23], $0x7D00  }
0x103: {  	[sflag:s23] =	ssyncset.done $0x0  }
0x104: {  	[sflag:s23] =	ssyncadd.s32 $0xFFFF8300  }
0x105: {  	[hbm4b:s8+s11] =	stream.strided.scatter [tilespmem:s18], [sflag:$0x5], $0x7D00, s12, s11, $0x38;
	[tilespmem:$0x16760] =	vst v63  }
0x106: {  	_ =	swait.ge [sflag:s5], $0x7D00  }
0x107: {  	[sflag:s5] =	ssyncset.done $0x0  }
0x108: {  	[sflag:s5] =	ssyncadd.s32 $0xFFFF8300  }
0x109: {  	_ =	swait.ge [sflag:s13], $0x7D00  }
0x10a: {  	[sflag:s13] =	ssyncset.done $0x0  }
0x10b: {  	s31 =	sadd.s32 $0xFFFFFFFF, s31;
	[sflag:s13] =	ssyncadd.s32 $0xFFFF8300  }
0x10c: {  	[tilespmem:s6], [sflag:$0x2] =	stream.indirect.gather.add.f32 [spmem:s1], $0x10, s7, s9, $0xb8;
	[tilespmem:$0x16760] =	vst v63  }
0x10d: {  	p2 =	sne.s32 s31, $0x0;
	_ =	swait.ge [sflag:s10], $0x7D00  }
.Ltmp2:
0x10e: {  	[sflag:s10] =	ssyncset.done $0x0;
	(pc) =	sbr.rel @p2 .LBB2_3-.Ltmp2, $4  }
0x10f: {  	[sflag:s10] =	ssyncadd.s32 $0xFFFF8300  }
0x110: {  	[hbm4b:s4+s11] =	stream.strided.scatter [tilespmem:s6], [sflag:$0x5], $0x7D00, s12, s11, $0x38;
	[tilespmem:$0x16760] =	vst v63  }
0x111: {  	_ =	swait.ge [sflag:s5], $0x7D00  }
0x112: {  	s0 =	rddreg [dreg:$0x5];
	[sflag:s5] =	ssyncset.done $0x0  }
0x113: {  	s30 =	rddreg [dreg:$0x4]  }
.LBB2_5:
0x114: {  	[sflag:s5] =	ssyncadd.s32 @p1 $0xFFFF8300;
	s29 =	simm.s32 @!p0 $0x1C05  }
0x115: {  	[spmem:s28], [sflag:s29] =	dma.local @!p0 [hbm:s0], $0x4E20  }
0x116: {  	s0 =	simm.s32 @!p0 $0x5  }
0x117: {  	_ =	swait.ge @!p0 [sflag:s0], $0x4E20  }
0x118: {  	[sflag:s0] =	ssyncset.done @!p0 $0x0  }
0x119: {  	s28 =	rddreg [dreg:$0x6];
	[sflag:s0] =	ssyncadd.s32 @!p0 $0xFFFFB1E0  }
0x11a: {  	[spmem:s26], [sflag:s29] =	dma.local @!p0 [hbm:s28], $0x4E20  }
0x11b: {  	_ =	swait.ge @!p0 [sflag:s0], $0x4E20  }
0x11c: {  	[sflag:s0] =	ssyncset.done @!p0 $0x0  }
0x11d: {  	[sflag:s0] =	ssyncadd.s32 @!p0 $0xFFFFB1E0  }
0x11e: {  	[bflag:$0x0] =	sbarrier.arrive $0xFFFF  }
0x11f: {  	s28 =	rddreg [dreg:$0x7]  }
0x120: {  	[tilespmem:s15], [sflag:$0x5] =	stream.linear.gather [hbm4b:s28+s3], $0x7D0, $0x38;
	[tilespmem:$0x16760] =	vst v63  }
0x121: {  	_ =	swait.ge [sflag:s5], $0x7D0  }
0x122: {  	[sflag:s5] =	ssyncset.done $0x0  }
0x123: {  	s29 =	rddreg [dreg:$0x8];
	[sflag:s5] =	ssyncadd.s32 $0xFFFFF830  }
0x124: {  	[tilespmem:s7], [sflag:$0x5] =	stream.linear.gather [hbm4b:s29+s3], $0x7D0, $0x38;
	[tilespmem:$0x16760] =	vst v63  }
0x125: {  	_ =	swait.ge [sflag:s5], $0x7D0  }
0x126: {  	[sflag:s5] =	ssyncset.done $0x0  }
0x127: {  	[sflag:s5] =	ssyncadd.s32 $0xFFFFF830  }
0x128: {  	[tilespmem:s6], [sflag:$0x1] =	stream.indirect.gather [spmem:s2], $0x10, s15, s9, $0xb8;
	[tilespmem:$0x16760] =	vst v63  }
0x129: {  	s31 =	rddreg [dreg:$0x9]  }
0x12a: {  	[tilespmem:s25], [sflag:$0x5] =	stream.linear.gather [hbm4b:s31+s3], $0x7D0, $0x38;
	[tilespmem:$0x16760] =	vst v63  }
0x12b: {  	_ =	swait.ge [sflag:s5], $0x7D0  }
0x12c: {  	[sflag:s5] =	ssyncset.done $0x0  }
0x12d: {  	s26 =	rddreg [dreg:$0xa];
	[sflag:s5] =	ssyncadd.s32 $0xFFFFF830  }
0x12e: {  	[tilespmem:s20], [sflag:$0x5] =	stream.linear.gather [hbm4b:s26+s3], $0x7D0, $0x38;
	[tilespmem:$0x16760] =	vst v63  }
0x12f: {  	_ =	swait.ge [sflag:s5], $0x7D0  }
0x130: {  	[sflag:s5] =	ssyncset.done $0x0  }
0x131: {  	[sflag:s5] =	ssyncadd.s32 $0xFFFFF830  }
0x132: {  	_ =	swait.ge [sflag:s13], $0x7D00  }
0x133: {  	[sflag:s13] =	ssyncset.done $0x0  }
0x134: {  	[sflag:s13] =	ssyncadd.s32 $0xFFFF8300  }
0x135: {  	[tilespmem:s6], [sflag:$0x2] =	stream.indirect.gather.add.f32 [spmem:s1], $0x10, s7, s9, $0xb8;
	[tilespmem:$0x16760] =	vst v63  }
0x136: {  	_ = 	snop  }
0x137: {  	[tilespmem:s18], [sflag:$0x3] =	stream.indirect.gather [spmem:s2], $0x10, s25, s9, $0xb8;
	[tilespmem:$0x16760] =	vst v63  }
0x138: {  	_ =	swait.ge [sflag:s10], $0x7D00  }
0x139: {  	[sflag:s10] =	ssyncset.done $0x0  }
0x13a: {  	s28 =	rddreg [dreg:$0xb];
	[sflag:s10] =	ssyncadd.s32 $0xFFFF8300  }
0x13b: {  	[hbm4b:s28+s11] =	stream.strided.scatter [tilespmem:s6], [sflag:$0x5], $0x7D00, s12, s11, $0x38;
	[tilespmem:$0x16760] =	vst v63  }
0x13c: {  	_ =	swait.ge [sflag:s5], $0x7D00  }
0x13d: {  	[sflag:s5] =	ssyncset.done $0x0  }
0x13e: {  	s29 =	rddreg [dreg:$0xc];
	[sflag:s5] =	ssyncadd.s32 $0xFFFF8300  }
0x13f: {  	[tilespmem:s15], [sflag:$0x5] =	stream.linear.gather [hbm4b:s29+s3], $0x7D0, $0x38;
	[tilespmem:$0x16760] =	vst v63  }
0x140: {  	_ =	swait.ge [sflag:s5], $0x7D0  }
0x141: {  	[sflag:s5] =	ssyncset.done $0x0  }
0x142: {  	s31 =	rddreg [dreg:$0xd];
	[sflag:s5] =	ssyncadd.s32 $0xFFFFF830  }
0x143: {  	[tilespmem:s7], [sflag:$0x5] =	stream.linear.gather [hbm4b:s31+s3], $0x7D0, $0x38;
	[tilespmem:$0x16760] =	vst v63  }
0x144: {  	_ =	swait.ge [sflag:s5], $0x7D0  }
0x145: {  	[sflag:s5] =	ssyncset.done $0x0  }
0x146: {  	[sflag:s5] =	ssyncadd.s32 $0xFFFFF830  }
0x147: {  	_ =	swait.ge [sflag:s24], $0x7D00  }
0x148: {  	[sflag:s24] =	ssyncset.done $0x0  }
0x149: {  	[sflag:s24] =	ssyncadd.s32 $0xFFFF8300  }
0x14a: {  	[tilespmem:s18], [sflag:$0x4] =	stream.indirect.gather.add.f32 [spmem:s1], $0x10, s20, s9, $0xb8;
	[tilespmem:$0x16760] =	vst v63  }
0x14b: {  	_ = 	snop  }
0x14c: {  	[tilespmem:s6], [sflag:$0x1] =	stream.indirect.gather [spmem:s2], $0x10, s15, s9, $0xb8;
	[tilespmem:$0x16760] =	vst v63  }
0x14d: {  	_ =	swait.ge [sflag:s23], $0x7D00  }
0x14e: {  	[sflag:s23] =	ssyncset.done $0x0  }
0x14f: {  	[sflag:s23] =	ssyncadd.s32 $0xFFFF8300  }
0x150: {  	[hbm4b:s19+s11] =	stream.strided.scatter [tilespmem:s18], [sflag:$0x5], $0x7D00, s12, s11, $0x38;
	[tilespmem:$0x16760] =	vst v63  }
0x151: {  	_ =	swait.ge [sflag:s5], $0x7D00  }
0x152: {  	[sflag:s5] =	ssyncset.done $0x0  }
0x153: {  	[sflag:s5] =	ssyncadd.s32 $0xFFFF8300  }
0x154: {  	[tilespmem:s25], [sflag:$0x5] =	stream.linear.gather [hbm4b:s22+s3], $0x7D0, $0x38;
	[tilespmem:$0x16760] =	vst v63  }
0x155: {  	_ =	swait.ge [sflag:s5], $0x7D0  }
0x156: {  	[sflag:s5] =	ssyncset.done $0x0  }
0x157: {  	[sflag:s5] =	ssyncadd.s32 $0xFFFFF830  }
0x158: {  	[tilespmem:s20], [sflag:$0x5] =	stream.linear.gather [hbm4b:s21+s3], $0x7D0, $0x38;
	[tilespmem:$0x16760] =	vst v63  }
0x159: {  	_ =	swait.ge [sflag:s5], $0x7D0  }
0x15a: {  	[sflag:s5] =	ssyncset.done $0x0  }
0x15b: {  	[sflag:s5] =	ssyncadd.s32 $0xFFFFF830  }
0x15c: {  	_ =	swait.ge [sflag:s13], $0x7D00  }
0x15d: {  	[sflag:s13] =	ssyncset.done $0x0  }
0x15e: {  	[sflag:s13] =	ssyncadd.s32 $0xFFFF8300  }
0x15f: {  	[tilespmem:s6], [sflag:$0x2] =	stream.indirect.gather.add.f32 [spmem:s1], $0x10, s7, s9, $0xb8;
	[tilespmem:$0x16760] =	vst v63  }
0x160: {  	_ = 	snop  }
0x161: {  	[tilespmem:s18], [sflag:$0x3] =	stream.indirect.gather [spmem:s2], $0x10, s25, s9, $0xb8;
	[tilespmem:$0x16760] =	vst v63  }
0x162: {  	_ =	swait.ge [sflag:s10], $0x7D00  }
0x163: {  	[sflag:s10] =	ssyncset.done $0x0  }
0x164: {  	[sflag:s10] =	ssyncadd.s32 $0xFFFF8300  }
0x165: {  	[hbm4b:s14+s11] =	stream.strided.scatter [tilespmem:s6], [sflag:$0x5], $0x7D00, s12, s11, $0x38;
	[tilespmem:$0x16760] =	vst v63  }
0x166: {  	_ =	swait.ge [sflag:s5], $0x7D00  }
0x167: {  	[sflag:s5] =	ssyncset.done $0x0  }
0x168: {  	[sflag:s5] =	ssyncadd.s32 $0xFFFF8300  }
0x169: {  	[tilespmem:s15], [sflag:$0x5] =	stream.linear.gather [hbm4b:s17+s3], $0x7D0, $0x38;
	[tilespmem:$0x16760] =	vst v63  }
0x16a: {  	_ =	swait.ge [sflag:s5], $0x7D0  }
0x16b: {  	[sflag:s5] =	ssyncset.done $0x0  }
0x16c: {  	[sflag:s5] =	ssyncadd.s32 $0xFFFFF830  }
0x16d: {  	[tilespmem:s7], [sflag:$0x5] =	stream.linear.gather [hbm4b:s16+s3], $0x7D0, $0x38;
	[tilespmem:$0x16760] =	vst v63  }
0x16e: {  	_ =	swait.ge [sflag:s5], $0x7D0  }
0x16f: {  	[sflag:s5] =	ssyncset.done $0x0  }
0x170: {  	[sflag:s5] =	ssyncadd.s32 $0xFFFFF830  }
0x171: {  	_ =	swait.ge [sflag:s24], $0x7D00  }
0x172: {  	[sflag:s24] =	ssyncset.done $0x0  }
0x173: {  	[sflag:s24] =	ssyncadd.s32 $0xFFFF8300  }
0x174: {  	[tilespmem:s18], [sflag:$0x4] =	stream.indirect.gather.add.f32 [spmem:s1], $0x10, s20, s9, $0xb8;
	[tilespmem:$0x16760] =	vst v63  }
0x175: {  	_ = 	snop  }
0x176: {  	[tilespmem:s6], [sflag:$0x1] =	stream.indirect.gather [spmem:s2], $0x10, s15, s9, $0xb8;
	[tilespmem:$0x16760] =	vst v63  }
0x177: {  	_ =	swait.ge [sflag:s23], $0x7D00  }
0x178: {  	[sflag:s23] =	ssyncset.done $0x0  }
0x179: {  	[sflag:s23] =	ssyncadd.s32 $0xFFFF8300  }
0x17a: {  	[hbm4b:s8+s11] =	stream.strided.scatter [tilespmem:s18], [sflag:$0x5], $0x7D00, s12, s11, $0x38;
	[tilespmem:$0x16760] =	vst v63  }
0x17b: {  	_ =	swait.ge [sflag:s5], $0x7D00  }
0x17c: {  	[sflag:s5] =	ssyncset.done $0x0  }
0x17d: {  	[sflag:s5] =	ssyncadd.s32 $0xFFFF8300  }
0x17e: {  	_ =	swait.ge [sflag:s13], $0x7D00  }
0x17f: {  	[sflag:s13] =	ssyncset.done $0x0  }
0x180: {  	[sflag:s13] =	ssyncadd.s32 $0xFFFF8300  }
0x181: {  	[tilespmem:s6], [sflag:$0x2] =	stream.indirect.gather.add.f32 [spmem:s1], $0x10, s7, s9, $0xb8;
	[tilespmem:$0x16760] =	vst v63  }
0x182: {  	_ =	swait.ge [sflag:s10], $0x7D00  }
0x183: {  	[sflag:s10] =	ssyncset.done $0x0  }
0x184: {  	[sflag:s10] =	ssyncadd.s32 $0xFFFF8300  }
0x185: {  	[hbm4b:s4+s11] =	stream.strided.scatter [tilespmem:s6], [sflag:$0x5], $0x7D00, s12, s11, $0x38;
	[tilespmem:$0x16760] =	vst v63  }
0x186: {  	_ =	swait.ge [sflag:s5], $0x7D00  }
0x187: {  	[sflag:s5] =	ssyncset.done $0x0  }
0x188: {  	[sflag:s5] =	ssyncadd.s32 $0xFFFF8300  }
0x189: {  	_ =	sfence.sel $0x180000  }
0x18a: {  	[bflag:$0x0] =	sbarrier.arrive $0xFFFF  }
0x18b: {  	_ =	strace $0x90000047  }
0x18c: {  	s0 =	sadd.s32 @!p0 $0x100000, s30;
	[bflag:$0x2] =	sbarrier.arrive $0xFFFF  }
0x18d: {  	[sflag:s0] =	ssyncadd.tile.s32 @!p0 $0x1;
	_ =	shalt  }
.LBB2_2:
.Ltmp3:
0x18e: {  	(pc) =	sbr.rel .LBB2_5-.Ltmp3, $2  }
0x18f: {  	_ =	sdelay $0x2  }
0x190: {  	s30 =	rddreg [dreg:$0x4]  }
.Lfunc_end2:
_tile_overlayer_lowered:
.L_overlay_start_2:
0x191: {  	(tag) =	ssettag $0x2  }
0x192: {  	s0 =	rddreg [dreg:$0x0];
	s2 =	stileid.u32  }
0x193: {  	s1 =	rddreg [dreg:$0x1];
	p0 =	sne.s32 s2, $0x0  }
0x194: {  	s3 =	rddreg [dreg:$0x2];
	[bflag:$0x3] =	sbarrier.arrive $0xFFFF;
	s2 =	simm.s32 @!p0 $0x1C05  }
0x195: {  	[timem:s3], [sflag:s2] =	dma.local @!p0 [hbm:s0], s1  }
0x196: {  	s0 =	simm.s32 @!p0 $0x5  }
0x197: {  	_ =	swait.ge @!p0 [sflag:s0], s1  }
0x198: {  	s1 =	ssub.s32 @!p0 $0x0, s1;
	[sflag:s0] =	ssyncset.done @!p0 $0x0  }
0x199: {  	[sflag:s0] =	ssyncadd.s32 @!p0 s1  }
0x19a: {  	[bflag:$0x3] =	sbarrier.arrive $0xFFFF  }
0x19b: {  	_ =	shalt  }

</sc_bundles>
